<compile_context>
chip_gen: v7x
topology: tpu7x:2x2x1
jax: 0.10.2.dev20260603
libtpu: 0.0.44.dev20260713+nightly
codegen_flags: <defaults>
</compile_context>

<pallas_src>
import functools

import jax
import jax.numpy as jnp
from jax import lax
from jax.experimental import pallas as pl
from jax.experimental.pallas import tpu as pltpu, tpu_sc as plsc

_FMIN = float(jnp.finfo(jnp.float32).min)

_NC, _NS, _L = 2, 16, 16
_NW = _NC * _NS


def _sc_routing_body(preds_hbm, scores_hbm, argmax_hbm, p_v, s_v, a_v,
                     *, B, K, N, V):
    WPB = _NW // B
    Nw = N // WPB
    cid = lax.axis_index("c")
    sid = lax.axis_index("s")
    wid = cid * _NS + sid
    b = wid // WPB
    v0 = (wid % WPB) * Nw

    def chunk_body(ci, _):
        base = v0 + ci * V
        pltpu.sync_copy(preds_hbm.at[b, :, pl.ds(base, V)], p_v)

        def group_body(g, carry):
            sl = pl.ds(g * _L, _L)
            m = p_v[0, sl]
            am = jnp.zeros((_L,), jnp.int32)
            for k in range(1, K):
                pk = p_v[k, sl]
                gt = pk > m
                m = jnp.where(gt, pk, m)
                am = jnp.where(gt, jnp.full((_L,), k, jnp.int32), am)
            s_v[sl] = m
            a_v[sl] = am
            return carry

        lax.fori_loop(0, V // _L, group_body, 0, unroll=2)
        pltpu.sync_copy(s_v, scores_hbm.at[b, pl.ds(base, V)])
        pltpu.sync_copy(a_v, argmax_hbm.at[b, pl.ds(base, V)])
        return 0

    lax.fori_loop(0, Nw // V, chunk_body, 0, unroll=False)


def _sc_routing(pf, V=2048):
    B, K, N = pf.shape
    mesh = plsc.VectorSubcoreMesh(core_axis_name="c", subcore_axis_name="s")
    fn = pl.kernel(
        functools.partial(_sc_routing_body, B=B, K=K, N=N, V=V),
        mesh=mesh,
        out_type=[
            jax.ShapeDtypeStruct((B, N), jnp.float32),
            jax.ShapeDtypeStruct((B, N), jnp.int32),
        ],
        scratch_types=[
            pltpu.VMEM((K, V), jnp.float32),
            pltpu.VMEM((V,), jnp.float32),
            pltpu.VMEM((V,), jnp.int32),
        ],
    )
    return fn(pf)


def _stats_apply_body(scores_ref, am_ref, x_ref, out_ref, segmax_s,
                      denom_s, fsum_s, *, K):
    ph = pl.program_id(1)
    nb = pl.program_id(2)

    @pl.when(ph == 0)
    def _phase0():
        @pl.when(nb == 0)
        def _():
            segmax_s[...] = jnp.full(segmax_s.shape, _FMIN, jnp.float32)
            denom_s[...] = jnp.zeros(denom_s.shape, jnp.float32)
            fsum_s[...] = jnp.zeros(fsum_s.shape, jnp.float32)

        s = scores_ref[0]
        am = am_ref[0]
        xb = x_ref[0]
        kio = jax.lax.broadcasted_iota(jnp.int32, (K,) + am.shape[1:], 0)
        ohf = (kio == am).astype(jnp.float32)
        lm = jnp.max(jnp.where(ohf > 0, s, _FMIN), axis=1, keepdims=True)
        old = segmax_s[...]
        new = jnp.maximum(old, lm)
        segmax_s[...] = new
        scale = jnp.exp(old - new)
        smg = jax.lax.dot_general(
            new.T, ohf, (((1,), (0,)), ((), ())),
            preferred_element_type=jnp.float32)
        w = jnp.exp(s - smg)
        wog = ohf * w
        denom_s[...] = denom_s[...] * scale + jnp.sum(wog, axis=1,
                                                      keepdims=True)
        fsum_s[...] = fsum_s[...] * scale + jax.lax.dot_general(
            wog, xb, (((1,), (1,)), ((), ())),
            preferred_element_type=jnp.float32)

    @pl.when(ph == 1)
    def _phase1():
        xb = x_ref[0]
        am = am_ref[0]
        denom = denom_s[...]
        cls = fsum_s[...] / jnp.where(denom > 0, denom, 1.0)
        kio = jax.lax.broadcasted_iota(jnp.int32, (K,) + am.shape[1:], 0)
        ohf = (kio == am).astype(jnp.float32)
        sl = jax.lax.dot_general(
            cls, ohf, (((0,), (0,)), ((), ())),
            preferred_element_type=jnp.float32)
        out_ref[0] = xb * sl


def _tc_stats_apply(xf, scores, am, Nb=8192):
    B, C, N = xf.shape
    K = 16
    NB = N // Nb
    sc3 = scores.reshape(B, 1, N)
    am3 = am.reshape(B, 1, N)
    return pl.pallas_call(
        functools.partial(_stats_apply_body, K=K),
        grid=(B, 2, NB),
        in_specs=[
            pl.BlockSpec((1, 1, Nb), lambda b, ph, n: (b, 0, n)),
            pl.BlockSpec((1, 1, Nb), lambda b, ph, n: (b, 0, n)),
            pl.BlockSpec((1, C, Nb), lambda b, ph, n: (b, 0, n)),
        ],
        out_specs=pl.BlockSpec(
            (1, C, Nb), lambda b, ph, n: (b, 0, jnp.where(ph == 1, n, 0))),
        out_shape=jax.ShapeDtypeStruct((B, C, N), jnp.float32),
        scratch_shapes=[
            pltpu.VMEM((K, 1), jnp.float32),
            pltpu.VMEM((K, 1), jnp.float32),
            pltpu.VMEM((K, C), jnp.float32),
        ],
    )(sc3, am3, xf)


def kernel(x, preds):
    B, C, H, W, D = x.shape
    N = H * W * D
    K = preds.shape[1]
    pf = preds.reshape(B, K, N)
    xf = x.reshape(B, C, N)
    scores, am = _sc_routing(pf)
    out = _tc_stats_apply(xf, scores, am)
    return out.reshape(B, C, H, W, D)

# --- scband reference (transcript-rebuilt; emitter-appended) ---
"""Pipeline reference for scband-semantic-level-context-3-d-12-31756988187037 (READ-ONLY COPY).

The authoritative reference and input builder live on the scoring server;
editing this copy changes nothing except your own understanding.
"""

import jax, jax.numpy as jnp
import numpy as np


def setup_inputs(seed: int = 0) -> dict:
    key = jax.random.key(seed)
    k1, k2 = jax.random.split(key)
    x = jax.random.normal(k1, (2, 32, 64, 64, 64), dtype=jnp.float32)
    preds = jax.random.normal(k2, (2, 16, 64, 64, 64), dtype=jnp.float32)
    return {"x": x, "preds": preds}


def reference(x, preds):
    B, C, H, W, D = x.shape
    K = preds.shape[1]
    N = H * W * D
    # [B, N, C] voxel features, [B, N, K] class scores
    feats = jnp.transpose(x.reshape(B, C, N), (0, 2, 1))
    p = jnp.transpose(preds.reshape(B, K, N), (0, 2, 1))
    # global avgpool class weights (computed in original forward, not used in output)
    c_p = jnp.mean(preds.reshape(B, K, N), axis=-1, keepdims=True)
    c_p_weight = jax.nn.softmax(c_p, axis=1)
    _ = c_p_weight
    # per-voxel hard class assignment
    argmax = jnp.argmax(p, axis=-1)  # [B, N] int
    # score of each voxel at its argmax class
    scores = jnp.take_along_axis(p, argmax[..., None], axis=-1)[..., 0]  # [B, N]
    # segment ids combining batch and class: seg in [0, B*K)
    seg = (argmax + jnp.arange(B, dtype=argmax.dtype)[:, None] * K).reshape(-1)
    s_flat = scores.reshape(-1)
    f_flat = feats.reshape(-1, C)
    nseg = B * K
    # masked softmax within each (batch, class) segment
    seg_max = jax.ops.segment_max(s_flat, seg, num_segments=nseg)
    w = jnp.exp(s_flat - seg_max[seg])
    denom = jax.ops.segment_sum(w, seg, num_segments=nseg)
    weight = w / denom[seg]
    # weighted class prototype features, scattered back to voxels
    cls_feat = jax.ops.segment_sum(f_flat * weight[:, None], seg, num_segments=nseg)  # [B*K, C]
    feats_sl = cls_feat[seg]  # [B*N, C] gather
    feats_sl = feats_sl.reshape(B, H, W, D, C)
    feats_sl = jnp.transpose(feats_sl, (0, 4, 1, 2, 3))  # [B, C, H, W, D]
    # norm_cfg=None -> identity norm; correlate_net undefined in source -> identity
    out = x * feats_sl
    return out

if __name__ == "__main__":
    import jax
    _d = setup_inputs()
    print(jax.jit(kernel)(*tuple(_d.values())))

</pallas_src>

<mosaic_0001>
#map = affine_map<(d0, d1) -> (0, 0, 0)>
#map1 = affine_map<(d0, d1) -> (0, 0)>
module attributes {stable_mosaic.version = 14 : i64} {
  func.func @_sc_routing_body(%arg0: i32, %arg1: i32, %arg2: memref<2x16x262144xf32, #tpu.memory_space<hbm>>, %arg3: memref<2x262144xf32, #tpu.memory_space<hbm>>, %arg4: memref<2x262144xi32, #tpu.memory_space<hbm>>, %arg5: memref<16x2048xf32, #tpu.memory_space<vmem>>, %arg6: memref<2048xf32, #tpu.memory_space<vmem>>, %arg7: memref<2048xi32, #tpu.memory_space<vmem>>) attributes {dimension_semantics = [#tpu.dimension_semantics<core_parallel>, #tpu.dimension_semantics<subcore_parallel>], iteration_bounds = array<i64: 2, 16>, scalar_prefetch = 0 : i64, scratch_operands = 3 : i64, tpu.core_type = #tpu.core_type<sc_vector_subcore>, window_params = [{transform_indices = #map}, {transform_indices = #map1}, {transform_indices = #map1}]} {
    %mul3A = arith.constant 16 : i32
    %mul3A_0 = arith.muli %arg0, %mul3A : i32
    %add3A = arith.addi %mul3A_0, %arg1 : i32
    %jit3A = arith.constant 16 : i32
    %div3A = arith.divsi %add3A, %jit3A : i32
    %sign3A = arith.constant 0 : i32
    %sign3A_1 = arith.cmpi sgt, %add3A, %sign3A : i32
    %sign3A_2 = arith.extui %sign3A_1 : i1 to i32
    %sign3A_3 = arith.constant 0 : i32
    %sign3A_4 = arith.cmpi slt, %add3A, %sign3A_3 : i32
    %sign3A_5 = arith.extui %sign3A_4 : i1 to i32
    %sign3A_6 = arith.subi %sign3A_2, %sign3A_5 : i32
    %sign3A_7 = arith.constant 0 : i32
    %sign3A_8 = arith.cmpi sgt, %jit3A, %sign3A_7 : i32
    %sign3A_9 = arith.extui %sign3A_8 : i1 to i32
    %sign3A_10 = arith.constant 0 : i32
    %sign3A_11 = arith.cmpi slt, %jit3A, %sign3A_10 : i32
    %sign3A_12 = arith.extui %sign3A_11 : i1 to i32
    %sign3A_13 = arith.subi %sign3A_9, %sign3A_12 : i32
    %ne3A = arith.cmpi ne, %sign3A_6, %sign3A_13 : i32
    %rem3A = arith.remsi %add3A, %jit3A : i32
    %ne3A_14 = arith.constant 0 : i32
    %ne3A_15 = arith.cmpi ne, %rem3A, %ne3A_14 : i32
    %and3A = arith.andi %ne3A, %ne3A_15 : i1
    %sub3A = arith.constant 1 : i32
    %sub3A_16 = arith.subi %div3A, %sub3A : i32
    %select_n3A = arith.select %and3A, %sub3A_16, %div3A : i32
    %jit3A_17 = arith.constant 16 : i32
    %eq3A = arith.constant 0 : i32
    %eq3A_18 = arith.cmpi eq, %jit3A_17, %eq3A : i32
    %jit3A_19 = arith.constant 1 : i32
    %select_n3A_20 = arith.select %eq3A_18, %jit3A_19, %jit3A_17 : i32
    %rem3A_21 = arith.remsi %add3A, %select_n3A_20 : i32
    %ne3A_22 = arith.constant 0 : i32
    %ne3A_23 = arith.cmpi ne, %rem3A_21, %ne3A_22 : i32
    %lt3A = arith.constant 0 : i32
    %lt3A_24 = arith.cmpi slt, %rem3A_21, %lt3A : i32
    %lt3A_25 = arith.constant 0 : i32
    %lt3A_26 = arith.cmpi slt, %select_n3A_20, %lt3A_25 : i32
    %ne3A_27 = arith.xori %lt3A_24, %lt3A_26 : i1
    %and3A_28 = arith.andi %ne3A_27, %ne3A_23 : i1
    %add3A_29 = arith.addi %rem3A_21, %select_n3A_20 : i32
    %select_n3A_30 = arith.select %and3A_28, %add3A_29, %rem3A_21 : i32
    %mul3A_31 = arith.constant 16384 : i32
    %mul3A_32 = arith.muli %select_n3A_30, %mul3A_31 : i32
    %scan3A = arith.constant 0 : i32
    %scan3A_33 = arith.constant 0 : i32
    %scan3A_34 = arith.constant 8 : i32
    %scan3A_35 = arith.addi %scan3A_33, %scan3A_34 : i32
    %scan3A_36 = arith.constant 1 : i32
    %scan3A_37 = scf.for %scan3A_39 = %scan3A_33 to %scan3A_35 step %scan3A_36 iter_args(%scan3A_40 = %scan3A) -> (i32)  : i32 {
      %mul3A_41 = arith.constant 2048 : i32
      %mul3A_42 = arith.muli %scan3A_39, %mul3A_41 : i32
      %add3A_43 = arith.addi %mul3A_32, %mul3A_42 : i32
      "tpu.region"() ({
        %run_scoped3A = tpu.sem_alloc : memref<!tpu.dma_semaphore, #tpu.memory_space<semaphore_mem>>
        %dma_start3A = arith.constant 0 : i32
        %dma_start3A_51 = tpu.memref_slice %arg2[%select_n3A, %dma_start3A, %add3A_43] : memref<2x16x262144xf32, #tpu.memory_space<hbm>> -> memref<1x16x2048xf32, #tpu.memory_space<hbm>>
        %dma_start3A_52 = tpu.memref_squeeze %dma_start3A_51 : memref<1x16x2048xf32, #tpu.memory_space<hbm>> -> memref<16x2048xf32, #tpu.memory_space<hbm>>
        %dma_start3A_53 = arith.constant 0 : i32
        %dma_start3A_54 = tpu.memref_slice %arg2[%select_n3A, %dma_start3A_53, %add3A_43] : memref<2x16x262144xf32, #tpu.memory_space<hbm>> -> memref<1x16x2048xf32, #tpu.memory_space<hbm>>
        %dma_start3A_55 = tpu.memref_squeeze %dma_start3A_54 : memref<1x16x2048xf32, #tpu.memory_space<hbm>> -> memref<16x2048xf32, #tpu.memory_space<hbm>>
        tpu.enqueue_dma source(%dma_start3A_55 : memref<16x2048xf32, #tpu.memory_space<hbm>>) target(%arg5 : memref<16x2048xf32, #tpu.memory_space<vmem>>) target_semaphore(%run_scoped3A : memref<!tpu.dma_semaphore, #tpu.memory_space<semaphore_mem>>)
        %dma_wait3A = arith.constant 0 : i32
        %dma_wait3A_56 = tpu.memref_slice %arg2[%select_n3A, %dma_wait3A, %add3A_43] : memref<2x16x262144xf32, #tpu.memory_space<hbm>> -> memref<1x16x2048xf32, #tpu.memory_space<hbm>>
        %dma_wait3A_57 = tpu.memref_squeeze %dma_wait3A_56 : memref<1x16x2048xf32, #tpu.memory_space<hbm>> -> memref<16x2048xf32, #tpu.memory_space<hbm>>
        %dma_wait3A_58 = arith.constant 0 : i32
        %dma_wait3A_59 = tpu.memref_slice %arg2[%select_n3A, %dma_wait3A_58, %add3A_43] : memref<2x16x262144xf32, #tpu.memory_space<hbm>> -> memref<1x16x2048xf32, #tpu.memory_space<hbm>>
        %dma_wait3A_60 = tpu.memref_squeeze %dma_wait3A_59 : memref<1x16x2048xf32, #tpu.memory_space<hbm>> -> memref<16x2048xf32, #tpu.memory_space<hbm>>
        tpu.wait_dma2 semaphore(%run_scoped3A : memref<!tpu.dma_semaphore, #tpu.memory_space<semaphore_mem>>) src(%dma_wait3A_60 : memref<16x2048xf32, #tpu.memory_space<hbm>>) dst(%arg5 : memref<16x2048xf32, #tpu.memory_space<vmem>>)
        tpu.yield
      }) : () -> ()
      %scan3A_44 = arith.constant 0 : i32
      %scan3A_45 = arith.constant 0 : i32
      %scan3A_46 = arith.constant 128 : i32
      %scan3A_47 = arith.addi %scan3A_45, %scan3A_46 : i32
      %scan3A_48 = arith.constant 2 : i32
      scf.for %scan3A_51 = %scan3A_45 to %scan3A_47 step %scan3A_48  : i32 {
        %mul3A_52 = arith.constant 16 : i32
        %mul3A_53 = arith.muli %scan3A_51, %mul3A_52 : i32
        %get3A = arith.constant 0 : i32
        %get3A_54 = arith.index_cast %get3A : i32 to index
        %get3A_55 = arith.index_cast %mul3A_53 : i32 to index
        %get3A_56 = tpu.vector_load %arg5[%get3A_54, %get3A_55] {strides = array<i32>} : memref<16x2048xf32, #tpu.memory_space<vmem>>, vector<1x16xf32>,
        %get3A_57 = vector.shape_cast %get3A_56 : vector<1x16xf32> to vector<16xf32>
        %broadcast_in_dim3A = arith.constant 0 : i32
        %broadcast_in_dim3A_58 = vector.broadcast %broadcast_in_dim3A : i32 to vector<16xi32>
        %get3A_59 = arith.constant 1 : i32
        %get3A_60 = arith.index_cast %get3A_59 : i32 to index
        %get3A_61 = arith.index_cast %mul3A_53 : i32 to index
        %get3A_62 = tpu.vector_load %arg5[%get3A_60, %get3A_61] {strides = array<i32>} : memref<16x2048xf32, #tpu.memory_space<vmem>>, vector<1x16xf32>,
        %get3A_63 = vector.shape_cast %get3A_62 : vector<1x16xf32> to vector<16xf32>
        %gt3A = arith.cmpf ogt, %get3A_63, %get3A_57 : vector<16xf32>
        %select_n3A_64 = arith.select %gt3A, %get3A_63, %get3A_57 : vector<16xi1>, vector<16xf32>
        %broadcast_in_dim3A_65 = arith.constant 1 : i32
        %broadcast_in_dim3A_66 = vector.broadcast %broadcast_in_dim3A_65 : i32 to vector<16xi32>
        %select_n3A_67 = arith.select %gt3A, %broadcast_in_dim3A_66, %broadcast_in_dim3A_58 : vector<16xi1>, vector<16xi32>
        %get3A_68 = arith.constant 2 : i32
        %get3A_69 = arith.index_cast %get3A_68 : i32 to index
        %get3A_70 = arith.index_cast %mul3A_53 : i32 to index
        %get3A_71 = tpu.vector_load %arg5[%get3A_69, %get3A_70] {strides = array<i32>} : memref<16x2048xf32, #tpu.memory_space<vmem>>, vector<1x16xf32>,
        %get3A_72 = vector.shape_cast %get3A_71 : vector<1x16xf32> to vector<16xf32>
        %gt3A_73 = arith.cmpf ogt, %get3A_72, %select_n3A_64 : vector<16xf32>
        %select_n3A_74 = arith.select %gt3A_73, %get3A_72, %select_n3A_64 : vector<16xi1>, vector<16xf32>
        %broadcast_in_dim3A_75 = arith.constant 2 : i32
        %broadcast_in_dim3A_76 = vector.broadcast %broadcast_in_dim3A_75 : i32 to vector<16xi32>
        %select_n3A_77 = arith.select %gt3A_73, %broadcast_in_dim3A_76, %select_n3A_67 : vector<16xi1>, vector<16xi32>
        %get3A_78 = arith.constant 3 : i32
        %get3A_79 = arith.index_cast %get3A_78 : i32 to index
        %get3A_80 = arith.index_cast %mul3A_53 : i32 to index
        %get3A_81 = tpu.vector_load %arg5[%get3A_79, %get3A_80] {strides = array<i32>} : memref<16x2048xf32, #tpu.memory_space<vmem>>, vector<1x16xf32>,
        %get3A_82 = vector.shape_cast %get3A_81 : vector<1x16xf32> to vector<16xf32>
        %gt3A_83 = arith.cmpf ogt, %get3A_82, %select_n3A_74 : vector<16xf32>
        %select_n3A_84 = arith.select %gt3A_83, %get3A_82, %select_n3A_74 : vector<16xi1>, vector<16xf32>
        %broadcast_in_dim3A_85 = arith.constant 3 : i32
        %broadcast_in_dim3A_86 = vector.broadcast %broadcast_in_dim3A_85 : i32 to vector<16xi32>
        %select_n3A_87 = arith.select %gt3A_83, %broadcast_in_dim3A_86, %select_n3A_77 : vector<16xi1>, vector<16xi32>
        %get3A_88 = arith.constant 4 : i32
        %get3A_89 = arith.index_cast %get3A_88 : i32 to index
        %get3A_90 = arith.index_cast %mul3A_53 : i32 to index
        %get3A_91 = tpu.vector_load %arg5[%get3A_89, %get3A_90] {strides = array<i32>} : memref<16x2048xf32, #tpu.memory_space<vmem>>, vector<1x16xf32>,
        %get3A_92 = vector.shape_cast %get3A_91 : vector<1x16xf32> to vector<16xf32>
        %gt3A_93 = arith.cmpf ogt, %get3A_92, %select_n3A_84 : vector<16xf32>
        %select_n3A_94 = arith.select %gt3A_93, %get3A_92, %select_n3A_84 : vector<16xi1>, vector<16xf32>
        %broadcast_in_dim3A_95 = arith.constant 4 : i32
        %broadcast_in_dim3A_96 = vector.broadcast %broadcast_in_dim3A_95 : i32 to vector<16xi32>
        %select_n3A_97 = arith.select %gt3A_93, %broadcast_in_dim3A_96, %select_n3A_87 : vector<16xi1>, vector<16xi32>
        %get3A_98 = arith.constant 5 : i32
        %get3A_99 = arith.index_cast %get3A_98 : i32 to index
        %get3A_100 = arith.index_cast %mul3A_53 : i32 to index
        %get3A_101 = tpu.vector_load %arg5[%get3A_99, %get3A_100] {strides = array<i32>} : memref<16x2048xf32, #tpu.memory_space<vmem>>, vector<1x16xf32>,
        %get3A_102 = vector.shape_cast %get3A_101 : vector<1x16xf32> to vector<16xf32>
        %gt3A_103 = arith.cmpf ogt, %get3A_102, %select_n3A_94 : vector<16xf32>
        %select_n3A_104 = arith.select %gt3A_103, %get3A_102, %select_n3A_94 : vector<16xi1>, vector<16xf32>
        %broadcast_in_dim3A_105 = arith.constant 5 : i32
        %broadcast_in_dim3A_106 = vector.broadcast %broadcast_in_dim3A_105 : i32 to vector<16xi32>
        %select_n3A_107 = arith.select %gt3A_103, %broadcast_in_dim3A_106, %select_n3A_97 : vector<16xi1>, vector<16xi32>
        %get3A_108 = arith.constant 6 : i32
        %get3A_109 = arith.index_cast %get3A_108 : i32 to index
        %get3A_110 = arith.index_cast %mul3A_53 : i32 to index
        %get3A_111 = tpu.vector_load %arg5[%get3A_109, %get3A_110] {strides = array<i32>} : memref<16x2048xf32, #tpu.memory_space<vmem>>, vector<1x16xf32>,
        %get3A_112 = vector.shape_cast %get3A_111 : vector<1x16xf32> to vector<16xf32>
        %gt3A_113 = arith.cmpf ogt, %get3A_112, %select_n3A_104 : vector<16xf32>
        %select_n3A_114 = arith.select %gt3A_113, %get3A_112, %select_n3A_104 : vector<16xi1>, vector<16xf32>
        %broadcast_in_dim3A_115 = arith.constant 6 : i32
        %broadcast_in_dim3A_116 = vector.broadcast %broadcast_in_dim3A_115 : i32 to vector<16xi32>
        %select_n3A_117 = arith.select %gt3A_113, %broadcast_in_dim3A_116, %select_n3A_107 : vector<16xi1>, vector<16xi32>
        %get3A_118 = arith.constant 7 : i32
        %get3A_119 = arith.index_cast %get3A_118 : i32 to index
        %get3A_120 = arith.index_cast %mul3A_53 : i32 to index
        %get3A_121 = tpu.vector_load %arg5[%get3A_119, %get3A_120] {strides = array<i32>} : memref<16x2048xf32, #tpu.memory_space<vmem>>, vector<1x16xf32>,
        %get3A_122 = vector.shape_cast %get3A_121 : vector<1x16xf32> to vector<16xf32>
        %gt3A_123 = arith.cmpf ogt, %get3A_122, %select_n3A_114 : vector<16xf32>
        %select_n3A_124 = arith.select %gt3A_123, %get3A_122, %select_n3A_114 : vector<16xi1>, vector<16xf32>
        %broadcast_in_dim3A_125 = arith.constant 7 : i32
        %broadcast_in_dim3A_126 = vector.broadcast %broadcast_in_dim3A_125 : i32 to vector<16xi32>
        %select_n3A_127 = arith.select %gt3A_123, %broadcast_in_dim3A_126, %select_n3A_117 : vector<16xi1>, vector<16xi32>
        %get3A_128 = arith.constant 8 : i32
        %get3A_129 = arith.index_cast %get3A_128 : i32 to index
        %get3A_130 = arith.index_cast %mul3A_53 : i32 to index
        %get3A_131 = tpu.vector_load %arg5[%get3A_129, %get3A_130] {strides = array<i32>} : memref<16x2048xf32, #tpu.memory_space<vmem>>, vector<1x16xf32>,
        %get3A_132 = vector.shape_cast %get3A_131 : vector<1x16xf32> to vector<16xf32>
        %gt3A_133 = arith.cmpf ogt, %get3A_132, %select_n3A_124 : vector<16xf32>
        %select_n3A_134 = arith.select %gt3A_133, %get3A_132, %select_n3A_124 : vector<16xi1>, vector<16xf32>
        %broadcast_in_dim3A_135 = arith.constant 8 : i32
        %broadcast_in_dim3A_136 = vector.broadcast %broadcast_in_dim3A_135 : i32 to vector<16xi32>
        %select_n3A_137 = arith.select %gt3A_133, %broadcast_in_dim3A_136, %select_n3A_127 : vector<16xi1>, vector<16xi32>
        %get3A_138 = arith.constant 9 : i32
        %get3A_139 = arith.index_cast %get3A_138 : i32 to index
        %get3A_140 = arith.index_cast %mul3A_53 : i32 to index
        %get3A_141 = tpu.vector_load %arg5[%get3A_139, %get3A_140] {strides = array<i32>} : memref<16x2048xf32, #tpu.memory_space<vmem>>, vector<1x16xf32>,
        %get3A_142 = vector.shape_cast %get3A_141 : vector<1x16xf32> to vector<16xf32>
        %gt3A_143 = arith.cmpf ogt, %get3A_142, %select_n3A_134 : vector<16xf32>
        %select_n3A_144 = arith.select %gt3A_143, %get3A_142, %select_n3A_134 : vector<16xi1>, vector<16xf32>
        %broadcast_in_dim3A_145 = arith.constant 9 : i32
        %broadcast_in_dim3A_146 = vector.broadcast %broadcast_in_dim3A_145 : i32 to vector<16xi32>
        %select_n3A_147 = arith.select %gt3A_143, %broadcast_in_dim3A_146, %select_n3A_137 : vector<16xi1>, vector<16xi32>
        %get3A_148 = arith.constant 10 : i32
        %get3A_149 = arith.index_cast %get3A_148 : i32 to index
        %get3A_150 = arith.index_cast %mul3A_53 : i32 to index
        %get3A_151 = tpu.vector_load %arg5[%get3A_149, %get3A_150] {strides = array<i32>} : memref<16x2048xf32, #tpu.memory_space<vmem>>, vector<1x16xf32>,
        %get3A_152 = vector.shape_cast %get3A_151 : vector<1x16xf32> to vector<16xf32>
        %gt3A_153 = arith.cmpf ogt, %get3A_152, %select_n3A_144 : vector<16xf32>
        %select_n3A_154 = arith.select %gt3A_153, %get3A_152, %select_n3A_144 : vector<16xi1>, vector<16xf32>
        %broadcast_in_dim3A_155 = arith.constant 10 : i32
        %broadcast_in_dim3A_156 = vector.broadcast %broadcast_in_dim3A_155 : i32 to vector<16xi32>
        %select_n3A_157 = arith.select %gt3A_153, %broadcast_in_dim3A_156, %select_n3A_147 : vector<16xi1>, vector<16xi32>
        %get3A_158 = arith.constant 11 : i32
        %get3A_159 = arith.index_cast %get3A_158 : i32 to index
        %get3A_160 = arith.index_cast %mul3A_53 : i32 to index
        %get3A_161 = tpu.vector_load %arg5[%get3A_159, %get3A_160] {strides = array<i32>} : memref<16x2048xf32, #tpu.memory_space<vmem>>, vector<1x16xf32>,
        %get3A_162 = vector.shape_cast %get3A_161 : vector<1x16xf32> to vector<16xf32>
        %gt3A_163 = arith.cmpf ogt, %get3A_162, %select_n3A_154 : vector<16xf32>
        %select_n3A_164 = arith.select %gt3A_163, %get3A_162, %select_n3A_154 : vector<16xi1>, vector<16xf32>
        %broadcast_in_dim3A_165 = arith.constant 11 : i32
        %broadcast_in_dim3A_166 = vector.broadcast %broadcast_in_dim3A_165 : i32 to vector<16xi32>
        %select_n3A_167 = arith.select %gt3A_163, %broadcast_in_dim3A_166, %select_n3A_157 : vector<16xi1>, vector<16xi32>
        %get3A_168 = arith.constant 12 : i32
        %get3A_169 = arith.index_cast %get3A_168 : i32 to index
        %get3A_170 = arith.index_cast %mul3A_53 : i32 to index
        %get3A_171 = tpu.vector_load %arg5[%get3A_169, %get3A_170] {strides = array<i32>} : memref<16x2048xf32, #tpu.memory_space<vmem>>, vector<1x16xf32>,
        %get3A_172 = vector.shape_cast %get3A_171 : vector<1x16xf32> to vector<16xf32>
        %gt3A_173 = arith.cmpf ogt, %get3A_172, %select_n3A_164 : vector<16xf32>
        %select_n3A_174 = arith.select %gt3A_173, %get3A_172, %select_n3A_164 : vector<16xi1>, vector<16xf32>
        %broadcast_in_dim3A_175 = arith.constant 12 : i32
        %broadcast_in_dim3A_176 = vector.broadcast %broadcast_in_dim3A_175 : i32 to vector<16xi32>
        %select_n3A_177 = arith.select %gt3A_173, %broadcast_in_dim3A_176, %select_n3A_167 : vector<16xi1>, vector<16xi32>
        %get3A_178 = arith.constant 13 : i32
        %get3A_179 = arith.index_cast %get3A_178 : i32 to index
        %get3A_180 = arith.index_cast %mul3A_53 : i32 to index
        %get3A_181 = tpu.vector_load %arg5[%get3A_179, %get3A_180] {strides = array<i32>} : memref<16x2048xf32, #tpu.memory_space<vmem>>, vector<1x16xf32>,
        %get3A_182 = vector.shape_cast %get3A_181 : vector<1x16xf32> to vector<16xf32>
        %gt3A_183 = arith.cmpf ogt, %get3A_182, %select_n3A_174 : vector<16xf32>
        %select_n3A_184 = arith.select %gt3A_183, %get3A_182, %select_n3A_174 : vector<16xi1>, vector<16xf32>
        %broadcast_in_dim3A_185 = arith.constant 13 : i32
        %broadcast_in_dim3A_186 = vector.broadcast %broadcast_in_dim3A_185 : i32 to vector<16xi32>
        %select_n3A_187 = arith.select %gt3A_183, %broadcast_in_dim3A_186, %select_n3A_177 : vector<16xi1>, vector<16xi32>
        %get3A_188 = arith.constant 14 : i32
        %get3A_189 = arith.index_cast %get3A_188 : i32 to index
        %get3A_190 = arith.index_cast %mul3A_53 : i32 to index
        %get3A_191 = tpu.vector_load %arg5[%get3A_189, %get3A_190] {strides = array<i32>} : memref<16x2048xf32, #tpu.memory_space<vmem>>, vector<1x16xf32>,
        %get3A_192 = vector.shape_cast %get3A_191 : vector<1x16xf32> to vector<16xf32>
        %gt3A_193 = arith.cmpf ogt, %get3A_192, %select_n3A_184 : vector<16xf32>
        %select_n3A_194 = arith.select %gt3A_193, %get3A_192, %select_n3A_184 : vector<16xi1>, vector<16xf32>
        %broadcast_in_dim3A_195 = arith.constant 14 : i32
        %broadcast_in_dim3A_196 = vector.broadcast %broadcast_in_dim3A_195 : i32 to vector<16xi32>
        %select_n3A_197 = arith.select %gt3A_193, %broadcast_in_dim3A_196, %select_n3A_187 : vector<16xi1>, vector<16xi32>
        %get3A_198 = arith.constant 15 : i32
        %get3A_199 = arith.index_cast %get3A_198 : i32 to index
        %get3A_200 = arith.index_cast %mul3A_53 : i32 to index
        %get3A_201 = tpu.vector_load %arg5[%get3A_199, %get3A_200] {strides = array<i32>} : memref<16x2048xf32, #tpu.memory_space<vmem>>, vector<1x16xf32>,
        %get3A_202 = vector.shape_cast %get3A_201 : vector<1x16xf32> to vector<16xf32>
        %gt3A_203 = arith.cmpf ogt, %get3A_202, %select_n3A_194 : vector<16xf32>
        %select_n3A_204 = arith.select %gt3A_203, %get3A_202, %select_n3A_194 : vector<16xi1>, vector<16xf32>
        %broadcast_in_dim3A_205 = arith.constant 15 : i32
        %broadcast_in_dim3A_206 = vector.broadcast %broadcast_in_dim3A_205 : i32 to vector<16xi32>
        %select_n3A_207 = arith.select %gt3A_203, %broadcast_in_dim3A_206, %select_n3A_197 : vector<16xi1>, vector<16xi32>
        %swap3A = arith.index_cast %mul3A_53 : i32 to index
        %swap3A_208 = tpu.vector_load %arg6[%swap3A] {strides = array<i32>} : memref<2048xf32, #tpu.memory_space<vmem>>, vector<16xf32>,
        %swap3A_209 = vector.shape_cast %swap3A_208 : vector<16xf32> to vector<16xf32>
        %swap3A_210 = vector.shape_cast %select_n3A_204 : vector<16xf32> to vector<16xf32>
        tpu.vector_store %arg6[%swap3A], %swap3A_210 {strides = array<i32>} : memref<2048xf32, #tpu.memory_space<vmem>>, vector<16xf32>,
        %swap3A_211 = arith.index_cast %mul3A_53 : i32 to index
        %swap3A_212 = tpu.vector_load %arg7[%swap3A_211] {strides = array<i32>} : memref<2048xi32, #tpu.memory_space<vmem>>, vector<16xi32>,
        %swap3A_213 = vector.shape_cast %swap3A_212 : vector<16xi32> to vector<16xi32>
        %swap3A_214 = vector.shape_cast %select_n3A_207 : vector<16xi32> to vector<16xi32>
        tpu.vector_store %arg7[%swap3A_211], %swap3A_214 {strides = array<i32>} : memref<2048xi32, #tpu.memory_space<vmem>>, vector<16xi32>,
        %scan3A_215 = arith.constant 1 : i32
        %scan3A_216 = arith.addi %scan3A_51, %scan3A_215 : i32
        %mul3A_217 = arith.constant 16 : i32
        %mul3A_218 = arith.muli %scan3A_216, %mul3A_217 : i32
        %get3A_219 = arith.constant 0 : i32
        %get3A_220 = arith.index_cast %get3A_219 : i32 to index
        %get3A_221 = arith.index_cast %mul3A_218 : i32 to index
        %get3A_222 = tpu.vector_load %arg5[%get3A_220, %get3A_221] {strides = array<i32>} : memref<16x2048xf32, #tpu.memory_space<vmem>>, vector<1x16xf32>,
        %get3A_223 = vector.shape_cast %get3A_222 : vector<1x16xf32> to vector<16xf32>
        %broadcast_in_dim3A_224 = arith.constant 0 : i32
        %broadcast_in_dim3A_225 = vector.broadcast %broadcast_in_dim3A_224 : i32 to vector<16xi32>
        %get3A_226 = arith.constant 1 : i32
        %get3A_227 = arith.index_cast %get3A_226 : i32 to index
        %get3A_228 = arith.index_cast %mul3A_218 : i32 to index
        %get3A_229 = tpu.vector_load %arg5[%get3A_227, %get3A_228] {strides = array<i32>} : memref<16x2048xf32, #tpu.memory_space<vmem>>, vector<1x16xf32>,
        %get3A_230 = vector.shape_cast %get3A_229 : vector<1x16xf32> to vector<16xf32>
        %gt3A_231 = arith.cmpf ogt, %get3A_230, %get3A_223 : vector<16xf32>
        %select_n3A_232 = arith.select %gt3A_231, %get3A_230, %get3A_223 : vector<16xi1>, vector<16xf32>
        %broadcast_in_dim3A_233 = arith.constant 1 : i32
        %broadcast_in_dim3A_234 = vector.broadcast %broadcast_in_dim3A_233 : i32 to vector<16xi32>
        %select_n3A_235 = arith.select %gt3A_231, %broadcast_in_dim3A_234, %broadcast_in_dim3A_225 : vector<16xi1>, vector<16xi32>
        %get3A_236 = arith.constant 2 : i32
        %get3A_237 = arith.index_cast %get3A_236 : i32 to index
        %get3A_238 = arith.index_cast %mul3A_218 : i32 to index
        %get3A_239 = tpu.vector_load %arg5[%get3A_237, %get3A_238] {strides = array<i32>} : memref<16x2048xf32, #tpu.memory_space<vmem>>, vector<1x16xf32>,
        %get3A_240 = vector.shape_cast %get3A_239 : vector<1x16xf32> to vector<16xf32>
        %gt3A_241 = arith.cmpf ogt, %get3A_240, %select_n3A_232 : vector<16xf32>
        %select_n3A_242 = arith.select %gt3A_241, %get3A_240, %select_n3A_232 : vector<16xi1>, vector<16xf32>
        %broadcast_in_dim3A_243 = arith.constant 2 : i32
        %broadcast_in_dim3A_244 = vector.broadcast %broadcast_in_dim3A_243 : i32 to vector<16xi32>
        %select_n3A_245 = arith.select %gt3A_241, %broadcast_in_dim3A_244, %select_n3A_235 : vector<16xi1>, vector<16xi32>
        %get3A_246 = arith.constant 3 : i32
        %get3A_247 = arith.index_cast %get3A_246 : i32 to index
        %get3A_248 = arith.index_cast %mul3A_218 : i32 to index
        %get3A_249 = tpu.vector_load %arg5[%get3A_247, %get3A_248] {strides = array<i32>} : memref<16x2048xf32, #tpu.memory_space<vmem>>, vector<1x16xf32>,
        %get3A_250 = vector.shape_cast %get3A_249 : vector<1x16xf32> to vector<16xf32>
        %gt3A_251 = arith.cmpf ogt, %get3A_250, %select_n3A_242 : vector<16xf32>
        %select_n3A_252 = arith.select %gt3A_251, %get3A_250, %select_n3A_242 : vector<16xi1>, vector<16xf32>
        %broadcast_in_dim3A_253 = arith.constant 3 : i32
        %broadcast_in_dim3A_254 = vector.broadcast %broadcast_in_dim3A_253 : i32 to vector<16xi32>
        %select_n3A_255 = arith.select %gt3A_251, %broadcast_in_dim3A_254, %select_n3A_245 : vector<16xi1>, vector<16xi32>
        %get3A_256 = arith.constant 4 : i32
        %get3A_257 = arith.index_cast %get3A_256 : i32 to index
        %get3A_258 = arith.index_cast %mul3A_218 : i32 to index
        %get3A_259 = tpu.vector_load %arg5[%get3A_257, %get3A_258] {strides = array<i32>} : memref<16x2048xf32, #tpu.memory_space<vmem>>, vector<1x16xf32>,
        %get3A_260 = vector.shape_cast %get3A_259 : vector<1x16xf32> to vector<16xf32>
        %gt3A_261 = arith.cmpf ogt, %get3A_260, %select_n3A_252 : vector<16xf32>
        %select_n3A_262 = arith.select %gt3A_261, %get3A_260, %select_n3A_252 : vector<16xi1>, vector<16xf32>
        %broadcast_in_dim3A_263 = arith.constant 4 : i32
        %broadcast_in_dim3A_264 = vector.broadcast %broadcast_in_dim3A_263 : i32 to vector<16xi32>
        %select_n3A_265 = arith.select %gt3A_261, %broadcast_in_dim3A_264, %select_n3A_255 : vector<16xi1>, vector<16xi32>
        %get3A_266 = arith.constant 5 : i32
        %get3A_267 = arith.index_cast %get3A_266 : i32 to index
        %get3A_268 = arith.index_cast %mul3A_218 : i32 to index
        %get3A_269 = tpu.vector_load %arg5[%get3A_267, %get3A_268] {strides = array<i32>} : memref<16x2048xf32, #tpu.memory_space<vmem>>, vector<1x16xf32>,
        %get3A_270 = vector.shape_cast %get3A_269 : vector<1x16xf32> to vector<16xf32>
        %gt3A_271 = arith.cmpf ogt, %get3A_270, %select_n3A_262 : vector<16xf32>
        %select_n3A_272 = arith.select %gt3A_271, %get3A_270, %select_n3A_262 : vector<16xi1>, vector<16xf32>
        %broadcast_in_dim3A_273 = arith.constant 5 : i32
        %broadcast_in_dim3A_274 = vector.broadcast %broadcast_in_dim3A_273 : i32 to vector<16xi32>
        %select_n3A_275 = arith.select %gt3A_271, %broadcast_in_dim3A_274, %select_n3A_265 : vector<16xi1>, vector<16xi32>
        %get3A_276 = arith.constant 6 : i32
        %get3A_277 = arith.index_cast %get3A_276 : i32 to index
        %get3A_278 = arith.index_cast %mul3A_218 : i32 to index
        %get3A_279 = tpu.vector_load %arg5[%get3A_277, %get3A_278] {strides = array<i32>} : memref<16x2048xf32, #tpu.memory_space<vmem>>, vector<1x16xf32>,
        %get3A_280 = vector.shape_cast %get3A_279 : vector<1x16xf32> to vector<16xf32>
        %gt3A_281 = arith.cmpf ogt, %get3A_280, %select_n3A_272 : vector<16xf32>
        %select_n3A_282 = arith.select %gt3A_281, %get3A_280, %select_n3A_272 : vector<16xi1>, vector<16xf32>
        %broadcast_in_dim3A_283 = arith.constant 6 : i32
        %broadcast_in_dim3A_284 = vector.broadcast %broadcast_in_dim3A_283 : i32 to vector<16xi32>
        %select_n3A_285 = arith.select %gt3A_281, %broadcast_in_dim3A_284, %select_n3A_275 : vector<16xi1>, vector<16xi32>
        %get3A_286 = arith.constant 7 : i32
        %get3A_287 = arith.index_cast %get3A_286 : i32 to index
        %get3A_288 = arith.index_cast %mul3A_218 : i32 to index
        %get3A_289 = tpu.vector_load %arg5[%get3A_287, %get3A_288] {strides = array<i32>} : memref<16x2048xf32, #tpu.memory_space<vmem>>, vector<1x16xf32>,
        %get3A_290 = vector.shape_cast %get3A_289 : vector<1x16xf32> to vector<16xf32>
        %gt3A_291 = arith.cmpf ogt, %get3A_290, %select_n3A_282 : vector<16xf32>
        %select_n3A_292 = arith.select %gt3A_291, %get3A_290, %select_n3A_282 : vector<16xi1>, vector<16xf32>
        %broadcast_in_dim3A_293 = arith.constant 7 : i32
        %broadcast_in_dim3A_294 = vector.broadcast %broadcast_in_dim3A_293 : i32 to vector<16xi32>
        %select_n3A_295 = arith.select %gt3A_291, %broadcast_in_dim3A_294, %select_n3A_285 : vector<16xi1>, vector<16xi32>
        %get3A_296 = arith.constant 8 : i32
        %get3A_297 = arith.index_cast %get3A_296 : i32 to index
        %get3A_298 = arith.index_cast %mul3A_218 : i32 to index
        %get3A_299 = tpu.vector_load %arg5[%get3A_297, %get3A_298] {strides = array<i32>} : memref<16x2048xf32, #tpu.memory_space<vmem>>, vector<1x16xf32>,
        %get3A_300 = vector.shape_cast %get3A_299 : vector<1x16xf32> to vector<16xf32>
        %gt3A_301 = arith.cmpf ogt, %get3A_300, %select_n3A_292 : vector<16xf32>
        %select_n3A_302 = arith.select %gt3A_301, %get3A_300, %select_n3A_292 : vector<16xi1>, vector<16xf32>
        %broadcast_in_dim3A_303 = arith.constant 8 : i32
        %broadcast_in_dim3A_304 = vector.broadcast %broadcast_in_dim3A_303 : i32 to vector<16xi32>
        %select_n3A_305 = arith.select %gt3A_301, %broadcast_in_dim3A_304, %select_n3A_295 : vector<16xi1>, vector<16xi32>
        %get3A_306 = arith.constant 9 : i32
        %get3A_307 = arith.index_cast %get3A_306 : i32 to index
        %get3A_308 = arith.index_cast %mul3A_218 : i32 to index
        %get3A_309 = tpu.vector_load %arg5[%get3A_307, %get3A_308] {strides = array<i32>} : memref<16x2048xf32, #tpu.memory_space<vmem>>, vector<1x16xf32>,
        %get3A_310 = vector.shape_cast %get3A_309 : vector<1x16xf32> to vector<16xf32>
        %gt3A_311 = arith.cmpf ogt, %get3A_310, %select_n3A_302 : vector<16xf32>
        %select_n3A_312 = arith.select %gt3A_311, %get3A_310, %select_n3A_302 : vector<16xi1>, vector<16xf32>
        %broadcast_in_dim3A_313 = arith.constant 9 : i32
        %broadcast_in_dim3A_314 = vector.broadcast %broadcast_in_dim3A_313 : i32 to vector<16xi32>
        %select_n3A_315 = arith.select %gt3A_311, %broadcast_in_dim3A_314, %select_n3A_305 : vector<16xi1>, vector<16xi32>
        %get3A_316 = arith.constant 10 : i32
        %get3A_317 = arith.index_cast %get3A_316 : i32 to index
        %get3A_318 = arith.index_cast %mul3A_218 : i32 to index
        %get3A_319 = tpu.vector_load %arg5[%get3A_317, %get3A_318] {strides = array<i32>} : memref<16x2048xf32, #tpu.memory_space<vmem>>, vector<1x16xf32>,
        %get3A_320 = vector.shape_cast %get3A_319 : vector<1x16xf32> to vector<16xf32>
        %gt3A_321 = arith.cmpf ogt, %get3A_320, %select_n3A_312 : vector<16xf32>
        %select_n3A_322 = arith.select %gt3A_321, %get3A_320, %select_n3A_312 : vector<16xi1>, vector<16xf32>
        %broadcast_in_dim3A_323 = arith.constant 10 : i32
        %broadcast_in_dim3A_324 = vector.broadcast %broadcast_in_dim3A_323 : i32 to vector<16xi32>
        %select_n3A_325 = arith.select %gt3A_321, %broadcast_in_dim3A_324, %select_n3A_315 : vector<16xi1>, vector<16xi32>
        %get3A_326 = arith.constant 11 : i32
        %get3A_327 = arith.index_cast %get3A_326 : i32 to index
        %get3A_328 = arith.index_cast %mul3A_218 : i32 to index
        %get3A_329 = tpu.vector_load %arg5[%get3A_327, %get3A_328] {strides = array<i32>} : memref<16x2048xf32, #tpu.memory_space<vmem>>, vector<1x16xf32>,
        %get3A_330 = vector.shape_cast %get3A_329 : vector<1x16xf32> to vector<16xf32>
        %gt3A_331 = arith.cmpf ogt, %get3A_330, %select_n3A_322 : vector<16xf32>
        %select_n3A_332 = arith.select %gt3A_331, %get3A_330, %select_n3A_322 : vector<16xi1>, vector<16xf32>
        %broadcast_in_dim3A_333 = arith.constant 11 : i32
        %broadcast_in_dim3A_334 = vector.broadcast %broadcast_in_dim3A_333 : i32 to vector<16xi32>
        %select_n3A_335 = arith.select %gt3A_331, %broadcast_in_dim3A_334, %select_n3A_325 : vector<16xi1>, vector<16xi32>
        %get3A_336 = arith.constant 12 : i32
        %get3A_337 = arith.index_cast %get3A_336 : i32 to index
        %get3A_338 = arith.index_cast %mul3A_218 : i32 to index
        %get3A_339 = tpu.vector_load %arg5[%get3A_337, %get3A_338] {strides = array<i32>} : memref<16x2048xf32, #tpu.memory_space<vmem>>, vector<1x16xf32>,
        %get3A_340 = vector.shape_cast %get3A_339 : vector<1x16xf32> to vector<16xf32>
        %gt3A_341 = arith.cmpf ogt, %get3A_340, %select_n3A_332 : vector<16xf32>
        %select_n3A_342 = arith.select %gt3A_341, %get3A_340, %select_n3A_332 : vector<16xi1>, vector<16xf32>
        %broadcast_in_dim3A_343 = arith.constant 12 : i32
        %broadcast_in_dim3A_344 = vector.broadcast %broadcast_in_dim3A_343 : i32 to vector<16xi32>
        %select_n3A_345 = arith.select %gt3A_341, %broadcast_in_dim3A_344, %select_n3A_335 : vector<16xi1>, vector<16xi32>
        %get3A_346 = arith.constant 13 : i32
        %get3A_347 = arith.index_cast %get3A_346 : i32 to index
        %get3A_348 = arith.index_cast %mul3A_218 : i32 to index
        %get3A_349 = tpu.vector_load %arg5[%get3A_347, %get3A_348] {strides = array<i32>} : memref<16x2048xf32, #tpu.memory_space<vmem>>, vector<1x16xf32>,
        %get3A_350 = vector.shape_cast %get3A_349 : vector<1x16xf32> to vector<16xf32>
        %gt3A_351 = arith.cmpf ogt, %get3A_350, %select_n3A_342 : vector<16xf32>
        %select_n3A_352 = arith.select %gt3A_351, %get3A_350, %select_n3A_342 : vector<16xi1>, vector<16xf32>
        %broadcast_in_dim3A_353 = arith.constant 13 : i32
        %broadcast_in_dim3A_354 = vector.broadcast %broadcast_in_dim3A_353 : i32 to vector<16xi32>
        %select_n3A_355 = arith.select %gt3A_351, %broadcast_in_dim3A_354, %select_n3A_345 : vector<16xi1>, vector<16xi32>
        %get3A_356 = arith.constant 14 : i32
        %get3A_357 = arith.index_cast %get3A_356 : i32 to index
        %get3A_358 = arith.index_cast %mul3A_218 : i32 to index
        %get3A_359 = tpu.vector_load %arg5[%get3A_357, %get3A_358] {strides = array<i32>} : memref<16x2048xf32, #tpu.memory_space<vmem>>, vector<1x16xf32>,
        %get3A_360 = vector.shape_cast %get3A_359 : vector<1x16xf32> to vector<16xf32>
        %gt3A_361 = arith.cmpf ogt, %get3A_360, %select_n3A_352 : vector<16xf32>
        %select_n3A_362 = arith.select %gt3A_361, %get3A_360, %select_n3A_352 : vector<16xi1>, vector<16xf32>
        %broadcast_in_dim3A_363 = arith.constant 14 : i32
        %broadcast_in_dim3A_364 = vector.broadcast %broadcast_in_dim3A_363 : i32 to vector<16xi32>
        %select_n3A_365 = arith.select %gt3A_361, %broadcast_in_dim3A_364, %select_n3A_355 : vector<16xi1>, vector<16xi32>
        %get3A_366 = arith.constant 15 : i32
        %get3A_367 = arith.index_cast %get3A_366 : i32 to index
        %get3A_368 = arith.index_cast %mul3A_218 : i32 to index
        %get3A_369 = tpu.vector_load %arg5[%get3A_367, %get3A_368] {strides = array<i32>} : memref<16x2048xf32, #tpu.memory_space<vmem>>, vector<1x16xf32>,
        %get3A_370 = vector.shape_cast %get3A_369 : vector<1x16xf32> to vector<16xf32>
        %gt3A_371 = arith.cmpf ogt, %get3A_370, %select_n3A_362 : vector<16xf32>
        %select_n3A_372 = arith.select %gt3A_371, %get3A_370, %select_n3A_362 : vector<16xi1>, vector<16xf32>
        %broadcast_in_dim3A_373 = arith.constant 15 : i32
        %broadcast_in_dim3A_374 = vector.broadcast %broadcast_in_dim3A_373 : i32 to vector<16xi32>
        %select_n3A_375 = arith.select %gt3A_371, %broadcast_in_dim3A_374, %select_n3A_365 : vector<16xi1>, vector<16xi32>
        %swap3A_376 = arith.index_cast %mul3A_218 : i32 to index
        %swap3A_377 = tpu.vector_load %arg6[%swap3A_376] {strides = array<i32>} : memref<2048xf32, #tpu.memory_space<vmem>>, vector<16xf32>,
        %swap3A_378 = vector.shape_cast %swap3A_377 : vector<16xf32> to vector<16xf32>
        %swap3A_379 = vector.shape_cast %select_n3A_372 : vector<16xf32> to vector<16xf32>
        tpu.vector_store %arg6[%swap3A_376], %swap3A_379 {strides = array<i32>} : memref<2048xf32, #tpu.memory_space<vmem>>, vector<16xf32>,
        %swap3A_380 = arith.index_cast %mul3A_218 : i32 to index
        %swap3A_381 = tpu.vector_load %arg7[%swap3A_380] {strides = array<i32>} : memref<2048xi32, #tpu.memory_space<vmem>>, vector<16xi32>,
        %swap3A_382 = vector.shape_cast %swap3A_381 : vector<16xi32> to vector<16xi32>
        %swap3A_383 = vector.shape_cast %select_n3A_375 : vector<16xi32> to vector<16xi32>
        tpu.vector_store %arg7[%swap3A_380], %swap3A_383 {strides = array<i32>} : memref<2048xi32, #tpu.memory_space<vmem>>, vector<16xi32>,
      }
      %scan3A_49 = arith.constant 128 : i32
      "tpu.region"() ({
        %run_scoped3A = tpu.sem_alloc : memref<!tpu.dma_semaphore, #tpu.memory_space<semaphore_mem>>
        %dma_start3A = tpu.memref_slice %arg3[%select_n3A, %add3A_43] : memref<2x262144xf32, #tpu.memory_space<hbm>> -> memref<1x2048xf32, #tpu.memory_space<hbm>>
        %dma_start3A_51 = tpu.memref_squeeze %dma_start3A : memref<1x2048xf32, #tpu.memory_space<hbm>> -> memref<2048xf32, #tpu.memory_space<hbm>>
        %dma_start3A_52 = tpu.memref_slice %arg3[%select_n3A, %add3A_43] : memref<2x262144xf32, #tpu.memory_space<hbm>> -> memref<1x2048xf32, #tpu.memory_space<hbm>>
        %dma_start3A_53 = tpu.memref_squeeze %dma_start3A_52 : memref<1x2048xf32, #tpu.memory_space<hbm>> -> memref<2048xf32, #tpu.memory_space<hbm>>
        tpu.enqueue_dma source(%arg6 : memref<2048xf32, #tpu.memory_space<vmem>>) target(%dma_start3A_53 : memref<2048xf32, #tpu.memory_space<hbm>>) target_semaphore(%run_scoped3A : memref<!tpu.dma_semaphore, #tpu.memory_space<semaphore_mem>>)
        %dma_wait3A = tpu.memref_slice %arg3[%select_n3A, %add3A_43] : memref<2x262144xf32, #tpu.memory_space<hbm>> -> memref<1x2048xf32, #tpu.memory_space<hbm>>
        %dma_wait3A_54 = tpu.memref_squeeze %dma_wait3A : memref<1x2048xf32, #tpu.memory_space<hbm>> -> memref<2048xf32, #tpu.memory_space<hbm>>
        %dma_wait3A_55 = tpu.memref_slice %arg3[%select_n3A, %add3A_43] : memref<2x262144xf32, #tpu.memory_space<hbm>> -> memref<1x2048xf32, #tpu.memory_space<hbm>>
        %dma_wait3A_56 = tpu.memref_squeeze %dma_wait3A_55 : memref<1x2048xf32, #tpu.memory_space<hbm>> -> memref<2048xf32, #tpu.memory_space<hbm>>
        tpu.wait_dma2 semaphore(%run_scoped3A : memref<!tpu.dma_semaphore, #tpu.memory_space<semaphore_mem>>) src(%arg6 : memref<2048xf32, #tpu.memory_space<vmem>>) dst(%dma_wait3A_56 : memref<2048xf32, #tpu.memory_space<hbm>>)
        tpu.yield
      }) : () -> ()
      "tpu.region"() ({
        %run_scoped3A = tpu.sem_alloc : memref<!tpu.dma_semaphore, #tpu.memory_space<semaphore_mem>>
        %dma_start3A = tpu.memref_slice %arg4[%select_n3A, %add3A_43] : memref<2x262144xi32, #tpu.memory_space<hbm>> -> memref<1x2048xi32, #tpu.memory_space<hbm>>
        %dma_start3A_51 = tpu.memref_squeeze %dma_start3A : memref<1x2048xi32, #tpu.memory_space<hbm>> -> memref<2048xi32, #tpu.memory_space<hbm>>
        %dma_start3A_52 = tpu.memref_slice %arg4[%select_n3A, %add3A_43] : memref<2x262144xi32, #tpu.memory_space<hbm>> -> memref<1x2048xi32, #tpu.memory_space<hbm>>
        %dma_start3A_53 = tpu.memref_squeeze %dma_start3A_52 : memref<1x2048xi32, #tpu.memory_space<hbm>> -> memref<2048xi32, #tpu.memory_space<hbm>>
        tpu.enqueue_dma source(%arg7 : memref<2048xi32, #tpu.memory_space<vmem>>) target(%dma_start3A_53 : memref<2048xi32, #tpu.memory_space<hbm>>) target_semaphore(%run_scoped3A : memref<!tpu.dma_semaphore, #tpu.memory_space<semaphore_mem>>)
        %dma_wait3A = tpu.memref_slice %arg4[%select_n3A, %add3A_43] : memref<2x262144xi32, #tpu.memory_space<hbm>> -> memref<1x2048xi32, #tpu.memory_space<hbm>>
        %dma_wait3A_54 = tpu.memref_squeeze %dma_wait3A : memref<1x2048xi32, #tpu.memory_space<hbm>> -> memref<2048xi32, #tpu.memory_space<hbm>>
        %dma_wait3A_55 = tpu.memref_slice %arg4[%select_n3A, %add3A_43] : memref<2x262144xi32, #tpu.memory_space<hbm>> -> memref<1x2048xi32, #tpu.memory_space<hbm>>
        %dma_wait3A_56 = tpu.memref_squeeze %dma_wait3A_55 : memref<1x2048xi32, #tpu.memory_space<hbm>> -> memref<2048xi32, #tpu.memory_space<hbm>>
        tpu.wait_dma2 semaphore(%run_scoped3A : memref<!tpu.dma_semaphore, #tpu.memory_space<semaphore_mem>>) src(%arg7 : memref<2048xi32, #tpu.memory_space<vmem>>) dst(%dma_wait3A_56 : memref<2048xi32, #tpu.memory_space<hbm>>)
        tpu.yield
      }) : () -> ()
      %scan3A_50 = arith.constant 0 : i32
      scf.yield %scan3A_50 : i32
    }
    %scan3A_38 = arith.constant 8 : i32
    return
  }
}

module attributes {stable_mosaic.version = 14 : i64} {
  func.func @_stats_apply_body(%arg0: i32, %arg1: i32, %arg2: i32, %arg3: memref<1x1x8192xf32, #tpu.memory_space<vmem>>, %arg4: memref<1x1x8192xi32, #tpu.memory_space<vmem>>, %arg5: memref<1x32x8192xf32, #tpu.memory_space<vmem>>, %arg6: memref<1x32x8192xf32, #tpu.memory_space<vmem>>, %arg7: memref<16x1xf32, #tpu.memory_space<vmem>>, %arg8: memref<16x1xf32, #tpu.memory_space<vmem>>, %arg9: memref<16x32xf32, #tpu.memory_space<vmem>>) attributes {dimension_semantics = [#tpu.dimension_semantics<arbitrary>, #tpu.dimension_semantics<arbitrary>, #tpu.dimension_semantics<arbitrary>], iteration_bounds = array<i64: 2, 2, 32>, scalar_prefetch = 0 : i64, scratch_operands = 3 : i64, tpu.core_type = #tpu.core_type<tc>, window_params = [{transform_indices = @transform_0, window_bounds = array<i64: 1, 1, 8192>}, {transform_indices = @transform_1, window_bounds = array<i64: 1, 1, 8192>}, {transform_indices = @transform_2, window_bounds = array<i64: 1, 32, 8192>}, {transform_indices = @transform_3, window_bounds = array<i64: 1, 32, 8192>}]} {
    %eq3A = arith.constant 0 : i32
    %eq3A_0 = arith.cmpi eq, %arg1, %eq3A : i32
    %convert_element_type3A = arith.extui %eq3A_0 : i1 to i32
    %cond3A = arith.constant 0 : i32
    %cond3A_1 = arith.cmpi ne, %convert_element_type3A, %cond3A : i32
    scf.if %cond3A_1 {
      %eq3A_7 = arith.constant 0 : i32
      %eq3A_8 = arith.cmpi eq, %arg2, %eq3A_7 : i32
      %convert_element_type3A_9 = arith.extui %eq3A_8 : i1 to i32
      %cond3A_10 = arith.constant 0 : i32
      %cond3A_11 = arith.cmpi ne, %convert_element_type3A_9, %cond3A_10 : i32
      scf.if %cond3A_11 {
        %broadcast_in_dim3A_65 = arith.constant -3.40282347E+38 : f32
        %broadcast_in_dim3A_66 = vector.broadcast %broadcast_in_dim3A_65 : f32 to vector<16x1xf32>
        %swap3A_67 = arith.constant 0 : index
        %swap3A_68 = arith.constant 0 : index
        %swap3A_69 = vector.load %arg7[%swap3A_67, %swap3A_68] : memref<16x1xf32, #tpu.memory_space<vmem>>, vector<16x1xf32>
        tpu.vector_store %arg7[%swap3A_67, %swap3A_68], %broadcast_in_dim3A_66 {strides = array<i32>} : memref<16x1xf32, #tpu.memory_space<vmem>>, vector<16x1xf32>,
        %broadcast_in_dim3A_70 = arith.constant 0.000000e+00 : f32
        %broadcast_in_dim3A_71 = vector.broadcast %broadcast_in_dim3A_70 : f32 to vector<16x1xf32>
        %swap3A_72 = arith.constant 0 : index
        %swap3A_73 = arith.constant 0 : index
        %swap3A_74 = vector.load %arg8[%swap3A_72, %swap3A_73] : memref<16x1xf32, #tpu.memory_space<vmem>>, vector<16x1xf32>
        tpu.vector_store %arg8[%swap3A_72, %swap3A_73], %broadcast_in_dim3A_71 {strides = array<i32>} : memref<16x1xf32, #tpu.memory_space<vmem>>, vector<16x1xf32>,
        %broadcast_in_dim3A_75 = arith.constant 0.000000e+00 : f32
        %broadcast_in_dim3A_76 = vector.broadcast %broadcast_in_dim3A_75 : f32 to vector<16x32xf32>
        %swap3A_77 = arith.constant 0 : index
        %swap3A_78 = arith.constant 0 : index
        %swap3A_79 = vector.load %arg9[%swap3A_77, %swap3A_78] : memref<16x32xf32, #tpu.memory_space<vmem>>, vector<16x32xf32>
        tpu.vector_store %arg9[%swap3A_77, %swap3A_78], %broadcast_in_dim3A_76 {strides = array<i32>} : memref<16x32xf32, #tpu.memory_space<vmem>>, vector<16x32xf32>,
      } else {
      }
      %get3A = arith.constant 0 : index
      %get3A_12 = arith.constant 0 : index
      %get3A_13 = arith.constant 0 : index
      %get3A_14 = vector.load %arg3[%get3A, %get3A_12, %get3A_13] : memref<1x1x8192xf32, #tpu.memory_space<vmem>>, vector<1x1x8192xf32>
      %get3A_15 = vector.shape_cast %get3A_14 : vector<1x1x8192xf32> to vector<1x8192xf32>
      %get3A_16 = arith.constant 0 : index
      %get3A_17 = arith.constant 0 : index
      %get3A_18 = arith.constant 0 : index
      %get3A_19 = vector.load %arg4[%get3A_16, %get3A_17, %get3A_18] : memref<1x1x8192xi32, #tpu.memory_space<vmem>>, vector<1x1x8192xi32>
      %get3A_20 = vector.shape_cast %get3A_19 : vector<1x1x8192xi32> to vector<1x8192xi32>
      %get3A_21 = arith.constant 0 : index
      %get3A_22 = arith.constant 0 : index
      %get3A_23 = arith.constant 0 : index
      %get3A_24 = vector.load %arg5[%get3A_21, %get3A_22, %get3A_23] : memref<1x32x8192xf32, #tpu.memory_space<vmem>>, vector<1x32x8192xf32>
      %get3A_25 = vector.shape_cast %get3A_24 : vector<1x32x8192xf32> to vector<32x8192xf32>
      %iota3A = tpu.iota {dimensions = array<i32: 0>} : vector<16x8192xi32>
      %eq3A_26 = vector.broadcast %get3A_20 : vector<1x8192xi32> to vector<16x8192xi32>
      %eq3A_27 = arith.cmpi eq, %iota3A, %eq3A_26 : vector<16x8192xi32>
      %convert_element_type3A_28 = arith.extui %eq3A_27 : vector<16x8192xi1> to vector<16x8192xi32>
      %convert_element_type3A_29 = arith.sitofp %convert_element_type3A_28 : vector<16x8192xi32> to vector<16x8192xf32>
      %gt3A = arith.constant 0.000000e+00 : f32
      %gt3A_30 = vector.broadcast %gt3A : f32 to vector<16x8192xf32>
      %gt3A_31 = arith.cmpf ogt, %convert_element_type3A_29, %gt3A_30 : vector<16x8192xf32>
      %jit3A = arith.constant -3.40282347E+38 : f32
      %broadcast_in_dim3A = vector.shape_cast %get3A_15 : vector<1x8192xf32> to vector<1x8192xf32>
      %broadcast_in_dim3A_32 = vector.broadcast %broadcast_in_dim3A : vector<1x8192xf32> to vector<16x8192xf32>
      %broadcast_in_dim3A_33 = vector.broadcast %jit3A : f32 to vector<16x8192xf32>
      %select_n3A = arith.select %gt3A_31, %broadcast_in_dim3A_32, %broadcast_in_dim3A_33 : vector<16x8192xi1>, vector<16x8192xf32>
      %reduce_max3A = arith.constant dense<0xFF800000> : vector<16xf32>
      %reduce_max3A_34 = vector.multi_reduction <maximumf>, %select_n3A, %reduce_max3A [1] : vector<16x8192xf32> to vector<16xf32>
      %broadcast_in_dim3A_35 = vector.shape_cast %reduce_max3A_34 : vector<16xf32> to vector<16x1xf32>
      %get3A_36 = arith.constant 0 : index
      %get3A_37 = arith.constant 0 : index
      %get3A_38 = vector.load %arg7[%get3A_36, %get3A_37] : memref<16x1xf32, #tpu.memory_space<vmem>>, vector<16x1xf32>
      %max3A = arith.maximumf %get3A_38, %broadcast_in_dim3A_35 : vector<16x1xf32>
      %swap3A = arith.constant 0 : index
      %swap3A_39 = arith.constant 0 : index
      %swap3A_40 = vector.load %arg7[%swap3A, %swap3A_39] : memref<16x1xf32, #tpu.memory_space<vmem>>, vector<16x1xf32>
      tpu.vector_store %arg7[%swap3A, %swap3A_39], %max3A {strides = array<i32>} : memref<16x1xf32, #tpu.memory_space<vmem>>, vector<16x1xf32>,
      %sub3A = arith.subf %get3A_38, %max3A : vector<16x1xf32>
      %exp3A = math.exp %sub3A : vector<16x1xf32>
      %transpose3A = tpu.transpose %max3A, [1, 0] : vector<16x1xf32> -> vector<1x16xf32>
      %dot_general3A = arith.constant dense<0.000000e+00> : vector<1x8192xf32>
      %dot_general3A_41 = tpu.matmul %transpose3A, %convert_element_type3A_29, %dot_general3A {dimension_numbers = #tpu.dot_dimension_numbers<[1], [0], [0], [1], [0, 0, 1, 1], [], []>, transpose_lhs_hint = false} : vector<1x16xf32>, vector<16x8192xf32>, vector<1x8192xf32> -> vector<1x8192xf32>
      %sub3A_42 = arith.subf %get3A_15, %dot_general3A_41 : vector<1x8192xf32>
      %exp3A_43 = math.exp %sub3A_42 : vector<1x8192xf32>
      %mul3A = vector.broadcast %exp3A_43 : vector<1x8192xf32> to vector<16x8192xf32>
      %mul3A_44 = arith.mulf %convert_element_type3A_29, %mul3A : vector<16x8192xf32>
      %get3A_45 = arith.constant 0 : index
      %get3A_46 = arith.constant 0 : index
      %get3A_47 = vector.load %arg8[%get3A_45, %get3A_46] : memref<16x1xf32, #tpu.memory_space<vmem>>, vector<16x1xf32>
      %mul3A_48 = arith.mulf %get3A_47, %exp3A : vector<16x1xf32>
      %reduce_sum3A = arith.constant dense<0.000000e+00> : vector<16xf32>
      %reduce_sum3A_49 = vector.multi_reduction <add>, %mul3A_44, %reduce_sum3A [1] : vector<16x8192xf32> to vector<16xf32>
      %broadcast_in_dim3A_50 = vector.shape_cast %reduce_sum3A_49 : vector<16xf32> to vector<16x1xf32>
      %add3A = arith.addf %mul3A_48, %broadcast_in_dim3A_50 : vector<16x1xf32>
      %swap3A_51 = arith.constant 0 : index
      %swap3A_52 = arith.constant 0 : index
      %swap3A_53 = vector.load %arg8[%swap3A_51, %swap3A_52] : memref<16x1xf32, #tpu.memory_space<vmem>>, vector<16x1xf32>
      tpu.vector_store %arg8[%swap3A_51, %swap3A_52], %add3A {strides = array<i32>} : memref<16x1xf32, #tpu.memory_space<vmem>>, vector<16x1xf32>,
      %get3A_54 = arith.constant 0 : index
      %get3A_55 = arith.constant 0 : index
      %get3A_56 = vector.load %arg9[%get3A_54, %get3A_55] : memref<16x32xf32, #tpu.memory_space<vmem>>, vector<16x32xf32>
      %mul3A_57 = vector.broadcast %exp3A : vector<16x1xf32> to vector<16x32xf32>
      %mul3A_58 = arith.mulf %get3A_56, %mul3A_57 : vector<16x32xf32>
      %dot_general3A_59 = arith.constant dense<0.000000e+00> : vector<16x32xf32>
      %dot_general3A_60 = tpu.matmul %mul3A_44, %get3A_25, %dot_general3A_59 {dimension_numbers = #tpu.dot_dimension_numbers<[1], [1], [0], [0], [0, 0, 1, 0], [], []>, transpose_lhs_hint = false} : vector<16x8192xf32>, vector<32x8192xf32>, vector<16x32xf32> -> vector<16x32xf32>
      %add3A_61 = arith.addf %mul3A_58, %dot_general3A_60 : vector<16x32xf32>
      %swap3A_62 = arith.constant 0 : index
      %swap3A_63 = arith.constant 0 : index
      %swap3A_64 = vector.load %arg9[%swap3A_62, %swap3A_63] : memref<16x32xf32, #tpu.memory_space<vmem>>, vector<16x32xf32>
      tpu.vector_store %arg9[%swap3A_62, %swap3A_63], %add3A_61 {strides = array<i32>} : memref<16x32xf32, #tpu.memory_space<vmem>>, vector<16x32xf32>,
    } else {
    }
    %eq3A_2 = arith.constant 1 : i32
    %eq3A_3 = arith.cmpi eq, %arg1, %eq3A_2 : i32
    %convert_element_type3A_4 = arith.extui %eq3A_3 : i1 to i32
    %cond3A_5 = arith.constant 0 : i32
    %cond3A_6 = arith.cmpi ne, %convert_element_type3A_4, %cond3A_5 : i32
    scf.if %cond3A_6 {
      %get3A = arith.constant 0 : index
      %get3A_7 = arith.constant 0 : index
      %get3A_8 = arith.constant 0 : index
      %get3A_9 = vector.load %arg5[%get3A, %get3A_7, %get3A_8] : memref<1x32x8192xf32, #tpu.memory_space<vmem>>, vector<1x32x8192xf32>
      %get3A_10 = vector.shape_cast %get3A_9 : vector<1x32x8192xf32> to vector<32x8192xf32>
      %get3A_11 = arith.constant 0 : index
      %get3A_12 = arith.constant 0 : index
      %get3A_13 = arith.constant 0 : index
      %get3A_14 = vector.load %arg4[%get3A_11, %get3A_12, %get3A_13] : memref<1x1x8192xi32, #tpu.memory_space<vmem>>, vector<1x1x8192xi32>
      %get3A_15 = vector.shape_cast %get3A_14 : vector<1x1x8192xi32> to vector<1x8192xi32>
      %get3A_16 = arith.constant 0 : index
      %get3A_17 = arith.constant 0 : index
      %get3A_18 = vector.load %arg8[%get3A_16, %get3A_17] : memref<16x1xf32, #tpu.memory_space<vmem>>, vector<16x1xf32>
      %get3A_19 = arith.constant 0 : index
      %get3A_20 = arith.constant 0 : index
      %get3A_21 = vector.load %arg9[%get3A_19, %get3A_20] : memref<16x32xf32, #tpu.memory_space<vmem>>, vector<16x32xf32>
      %gt3A = arith.constant 0.000000e+00 : f32
      %gt3A_22 = vector.broadcast %gt3A : f32 to vector<16x1xf32>
      %gt3A_23 = arith.cmpf ogt, %get3A_18, %gt3A_22 : vector<16x1xf32>
      %jit3A = arith.constant 1.000000e+00 : f32
      %broadcast_in_dim3A = vector.broadcast %jit3A : f32 to vector<16x1xf32>
      %select_n3A = arith.select %gt3A_23, %get3A_18, %broadcast_in_dim3A : vector<16x1xi1>, vector<16x1xf32>
      %div3A = vector.broadcast %select_n3A : vector<16x1xf32> to vector<16x32xf32>
      %div3A_24 = arith.divf %get3A_21, %div3A : vector<16x32xf32>
      %iota3A = tpu.iota {dimensions = array<i32: 0>} : vector<16x8192xi32>
      %eq3A_25 = vector.broadcast %get3A_15 : vector<1x8192xi32> to vector<16x8192xi32>
      %eq3A_26 = arith.cmpi eq, %iota3A, %eq3A_25 : vector<16x8192xi32>
      %convert_element_type3A_27 = arith.extui %eq3A_26 : vector<16x8192xi1> to vector<16x8192xi32>
      %convert_element_type3A_28 = arith.sitofp %convert_element_type3A_27 : vector<16x8192xi32> to vector<16x8192xf32>
      %dot_general3A = arith.constant dense<0.000000e+00> : vector<32x8192xf32>
      %dot_general3A_29 = tpu.matmul %div3A_24, %convert_element_type3A_28, %dot_general3A {dimension_numbers = #tpu.dot_dimension_numbers<[0], [0], [1], [1], [0, 1, 1, 1], [], []>, transpose_lhs_hint = false} : vector<16x32xf32>, vector<16x8192xf32>, vector<32x8192xf32> -> vector<32x8192xf32>
      %mul3A = arith.mulf %get3A_10, %dot_general3A_29 : vector<32x8192xf32>
      %swap3A = arith.constant 0 : index
      %swap3A_30 = arith.constant 0 : index
      %swap3A_31 = arith.constant 0 : index
      %swap3A_32 = vector.load %arg6[%swap3A, %swap3A_30, %swap3A_31] : memref<1x32x8192xf32, #tpu.memory_space<vmem>>, vector<1x32x8192xf32>
      %swap3A_33 = vector.shape_cast %swap3A_32 : vector<1x32x8192xf32> to vector<32x8192xf32>
      %swap3A_34 = vector.shape_cast %mul3A : vector<32x8192xf32> to vector<1x32x8192xf32>
      tpu.vector_store %arg6[%swap3A, %swap3A_30, %swap3A_31], %swap3A_34 {strides = array<i32>} : memref<1x32x8192xf32, #tpu.memory_space<vmem>>, vector<1x32x8192xf32>,
    } else {
    }
    return
  }
  func.func @transform_0(%arg0: i32, %arg1: i32, %arg2: i32) -> (i32, i32, i32) {
    %c0_i32 = arith.constant 0 : i32
    %c0_i32_0 = arith.constant 0 : i32
    return %arg0, %c0_i32, %arg2 : i32, i32, i32
  }
  func.func @transform_1(%arg0: i32, %arg1: i32, %arg2: i32) -> (i32, i32, i32) {
    %c0_i32 = arith.constant 0 : i32
    %c0_i32_0 = arith.constant 0 : i32
    return %arg0, %c0_i32, %arg2 : i32, i32, i32
  }
  func.func @transform_2(%arg0: i32, %arg1: i32, %arg2: i32) -> (i32, i32, i32) {
    %c0_i32 = arith.constant 0 : i32
    %c0_i32_0 = arith.constant 0 : i32
    return %arg0, %c0_i32, %arg2 : i32, i32, i32
  }
  func.func @transform_3(%arg0: i32, %arg1: i32, %arg2: i32) -> (i32, i32, i32) {
    %eq3A = arith.constant 1 : i32
    %eq3A_0 = arith.cmpi eq, %arg1, %eq3A : i32
    %jit3A = arith.constant 0 : i32
    %select_n3A = arith.select %eq3A_0, %arg2, %jit3A : i32
    %c0_i32 = arith.constant 0 : i32
    %c0_i32_1 = arith.constant 0 : i32
    return %arg0, %c0_i32, %select_n3A : i32, i32, i32
  }
}

</mosaic_0001>

<sc_bundles>
// kernel: kernel.4.cloned.1.call-start
scs
__scs_entry_jumppad:
0x0: {  	(pc) =	sbr.rel $0x88, $3  }
0x1: {  	(tag) =	ssettag $0x0;
	lr =	simm.s32 $0x1  }
0x2: {  	[smem:$0x3F9F] =	sst lr;
	_ =	strace $0xD0000000  }
0x3: {  	_ = 	snop  }
0x4: {  	_ = 	snop  }
0x5: {  	_ = 	snop  }
0x6: {  	_ = 	snop  }
0x7: {  	_ = 	snop  }
__scs_overlays_trampoline_lowered:
0x8: {  	[smem:$0x3FAE] =	sst s0  }
0x9: {  	[smem:$0x3FAF] =	sst s1  }
0xa: {  	[smem:$0x3FB0] =	sst s2  }
0xb: {  	[smem:$0x3FB1] =	sst s3  }
0xc: {  	[smem:$0x3FB2] =	sst s4  }
0xd: {  	[smem:$0x3FB3] =	sst s5  }
0xe: {  	[smem:$0x3FB4] =	sst s6  }
0xf: {  	[smem:$0x3FB5] =	sst s7  }
0x10: {  	[smem:$0x3FB6] =	sst s8  }
0x11: {  	[smem:$0x3FB7] =	sst s9;
	s0 =	simm.s32 @!p0 $0x0  }
0x12: {  	s1 =	sld [smem:$0x3F9D];
	s0 =	simm.s32 @p0 $0x1  }
0x13: {  	[smem:$0x3FB8] =	sst s0;
	s0 =	simm.s32 @!p1 $0x0  }
0x14: {  	s2 =	sld [smem:$0x3F9C];
	s0 =	simm.s32 @p1 $0x1  }
0x15: {  	[smem:$0x3FB9] =	sst s0;
	s0 =	simm.s32 @!p2 $0x0  }
0x16: {  	s3 =	sld [smem:$0x3FDB];
	s0 =	simm.s32 @p2 $0x1  }
0x17: {  	s4 =	simm.s32 $0x1BF5;
	[smem:$0x3FBB] =	sst s0  }
0x18: {  	s0 =	sld [smem:$0x3F9E];
	_ =	swait.ge [sflag:s4], $0x0  }
0x19: {  	s7 =	sld [smem:$0x3F9F]  }
0x1a: {  	s8 =	sadd.s32 $0xFFFFE003, lr  }
0x1b: {  	s9 =	sadd.s32 $0xFFFFFEF7, lr;
	s5 =	simm.s32 $0xFFFFFFFF;
	p2 =	slt.u32 s8, $0xFFFFF086  }
0x1c: {  	p1 =	slt.u32 s9, $0xF7A;
	s5 =	simm.s32 @!p2 $0x0  }
0x1d: {  	s5 =	simm.s32 @p1 $0x1;
	p0 =	seq.s32 s7, s2  }
0x1e: {  	s7 =	smul.u32 @!p0 $0xF7A, s2;
	p2 =	seq.s32 @!p0 s5, $0x0  }
0x1f: {  	s9 =	smul.u32 $0xF7A, s1;
	s8 =	simm.s32 @!p0 $0x1BF5;
	p2 =	por !p2, p0  }
0x20: {  	[sflag:s8] =	ssyncset.s32 @!p0 $0xFFFFF086;
	s6 =	sadd.s32 @!p0 s3, s7;
	s7 =	simm.s32 @!p0 $0x108  }
0x21: {  	s3 =	sadd.s32 s3, s9;
	s6 =	sadd.s32 @!p0 $0x88, s6;
	s7 =	simm.s32 @p2 $0x1082  }
0x22: {  	[simem:s7], [sflag:s8] =	dma.local @!p0 [hbm:s6], $0xF7A  }
0x23: {  	s9 =	sor.u32 $0xD0000000, s2;
	s6 =	simm.s32 $0x108;
	_ =	swait.ge @!p0 [sflag:s8], $0x0  }
0x24: {  	s3 =	sadd.s32 $0x88, s3;
	s6 =	simm.s32 @!p1 $0x1082;
	[sflag:s4] =	ssyncset.s32 $0xFFFFF086  }
0x25: {  	[simem:s6], [sflag:s4] =	dma.local [hbm:s3], $0xF7A  }
0x26: {  	[smem:$0x3F9F] =	sst s1;
	(tag) =	ssettag s2;
	_ =	strace s9  }
0x27: {  	s1 =	sld [smem:$0x3FAF]  }
0x28: {  	s2 =	sld [smem:$0x3FB0]  }
0x29: {  	s4 =	sld [smem:$0x3FB2]  }
0x2a: {  	p0 =	seq.s32 s5, $0x0;
	s5 =	sld [smem:$0x3FB3]  }
0x2b: {  	s6 =	sld [smem:$0x3FB4]  }
0x2c: {  	s7 =	sld [smem:$0x3FB5]  }
0x2d: {  	s3 =	simm.s32 $0x108;
	s8 =	sld [smem:$0x3FB6]  }
0x2e: {  	s3 =	simm.s32 @!p0 $0x1082;
	s9 =	sld [smem:$0x3FB7]  }
0x2f: {  	lr =	sadd.s32 s0, s3;
	s0 =	sld [smem:$0x3FAE]  }
0x30: {  	s3 =	sld [smem:$0x3FB1]  }
0x31: {  	[smem:$0x3FBA] =	sst s10  }
0x32: {  	s10 =	sld [smem:$0x3FB8];
	_ =	sdelay $0x3  }
0x33: {  	p0 =	seq.s32 s10, $0x1;
	s10 =	sld [smem:$0x3FBA];
	_ =	sdelay $0x3  }
0x34: {  	[smem:$0x3FBA] =	sst s10  }
0x35: {  	s10 =	sld [smem:$0x3FB9];
	_ =	sdelay $0x3  }
0x36: {  	p1 =	seq.s32 s10, $0x1;
	s10 =	sld [smem:$0x3FBA];
	_ =	sdelay $0x3  }
0x37: {  	[smem:$0x3FBA] =	sst s10  }
0x38: {  	s10 =	sld [smem:$0x3FBB]  }
0x39: {  	_ = 	snop;
	(pc) =	sbr.ind lr, $3  }
0x3a: {  	_ = 	snop  }
0x3b: {  	_ = 	snop  }
0x3c: {  	p2 =	seq.s32 s10, $0x1;
	s10 =	sld [smem:$0x3FBA]  }
0x3d: {  	_ =	shalt  }
0x3e: {  	_ =	shalt  }
0x3f: {  	_ =	shalt  }
0x40: {  	_ =	shalt  }
0x41: {  	_ =	shalt  }
0x42: {  	_ =	shalt  }
0x43: {  	_ =	shalt  }
0x44: {  	_ =	shalt  }
0x45: {  	_ =	shalt  }
0x46: {  	_ =	shalt  }
0x47: {  	_ =	shalt  }
0x48: {  	_ =	shalt  }
0x49: {  	_ =	shalt  }
0x4a: {  	_ =	shalt  }
0x4b: {  	_ =	shalt  }
0x4c: {  	_ =	shalt  }
0x4d: {  	_ =	shalt  }
0x4e: {  	_ =	shalt  }
0x4f: {  	_ =	shalt  }
0x50: {  	_ =	shalt  }
0x51: {  	_ =	shalt  }
0x52: {  	_ =	shalt  }
0x53: {  	_ =	shalt  }
0x54: {  	_ =	shalt  }
0x55: {  	_ =	shalt  }
0x56: {  	_ =	shalt  }
0x57: {  	_ =	shalt  }
0x58: {  	_ =	shalt  }
0x59: {  	_ =	shalt  }
0x5a: {  	_ =	shalt  }
0x5b: {  	_ =	shalt  }
0x5c: {  	_ =	shalt  }
0x5d: {  	_ =	shalt  }
0x5e: {  	_ =	shalt  }
0x5f: {  	_ =	shalt  }
0x60: {  	_ =	shalt  }
0x61: {  	_ =	shalt  }
0x62: {  	_ =	shalt  }
0x63: {  	_ =	shalt  }
0x64: {  	_ =	shalt  }
0x65: {  	_ =	shalt  }
0x66: {  	_ =	shalt  }
0x67: {  	_ =	shalt  }
0x68: {  	_ =	shalt  }
0x69: {  	_ =	shalt  }
0x6a: {  	_ =	shalt  }
0x6b: {  	_ =	shalt  }
0x6c: {  	_ =	shalt  }
0x6d: {  	_ =	shalt  }
0x6e: {  	_ =	shalt  }
0x6f: {  	_ =	shalt  }
0x70: {  	_ =	shalt  }
0x71: {  	_ =	shalt  }
0x72: {  	_ =	shalt  }
0x73: {  	_ =	shalt  }
0x74: {  	_ =	shalt  }
0x75: {  	_ =	shalt  }
0x76: {  	_ =	shalt  }
0x77: {  	_ =	shalt  }
0x78: {  	_ =	shalt  }
0x79: {  	_ =	shalt  }
0x7a: {  	_ =	shalt  }
0x7b: {  	_ =	shalt  }
0x7c: {  	_ =	shalt  }
0x7d: {  	_ =	shalt  }
0x7e: {  	_ =	shalt  }
0x7f: {  	_ =	shalt  }
0x80: {  	_ =	shalt  }
0x81: {  	_ =	shalt  }
0x82: {  	_ =	shalt  }
0x83: {  	_ =	shalt  }
0x84: {  	_ =	shalt  }
0x85: {  	_ =	shalt  }
0x86: {  	_ =	shalt  }
0x87: {  	_ =	shalt  }
.Lfunc_end0:
.L_simem_size_0:
called_computation_lowered:
.L_overlay_start_0:
0x88: {  	s2 =	sld [smem:$0x3FD9]  }
0x89: {  	s3 =	sld [smem:$0x3FFE];
	_ =	sdelay $0x1  }
0x8a: {  	s1 =	srdreg.scid  }
0x8b: {  	s0 =	sand.u32 $0x1, s1  }
0x8c: {  	s16 =	sshll.u32 s0, $0xA;
	s2 =	sadd.s32 s3, s2  }
0x8d: {  	s2 =	sadd.s32 s2, s16  }
0x8e: {  	[smem:$0x3FC6] =	sst s2  }
0x8f: {  	_ = 	snop  }
0x90: {  	(tm) =	ssettm $0x1  }
0x91: {  	s17 =	sld [smem:$0x3FFB];
	_ =	sdelay $0x3  }
0x92: {  	_ =	strace s17  }
0x93: {  	s2 =	sld [smem:$0x3FFC];
	_ =	sdelay $0x3  }
0x94: {  	_ =	strace s2  }
0x95: {  	s2 =	sld [smem:$0x3FFD];
	_ =	sdelay $0x3  }
0x96: {  	_ =	strace s2  }
0x97: {  	_ =	strace $0x8FFFFFFF  }
0x98: {  	s18 =	sld [smem:$0x3FDB];
	_ =	sdelay $0x1  }
0x99: {  	s19 =	simm.s32 $_scs_section_size  }
0x9a: {  	s4 =	simm.s32 $_size__tile_overlayer_lowered;
	s5 =	simm.s32 $_tile_overlayer_lowered  }
0x9b: {  	s22 =	simm.s32 $0x1BFF;
	s21 =	sshll.u32 s5, $0x1;
	s2 =	sadd.s32 s19, s18  }
0x9c: {  	s6 =	simm.s32 $0x0;
	s20 =	sshll.u32 s4, $0x1;
	s4 =	sadd.s32 s21, s2  }
0x9d: {  	[timem:s6], [sflag:s22] =	dma.local [hbm:s4], s20  }
0x9e: {  	_ =	swait.ge [sflag:s22], s20  }
0x9f: {  	s3 =	ssub.s32 $0x0, s20;
	[sflag:s22] =	ssyncset.done $0x0  }
0xa0: {  	[sflag:s22] =	ssyncadd.s32 s3;
	_ =	sdelay $0x1  }
0xa1: {  	s23 =	simm.s32 $0x1B8B  }
0xa2: {  	_ =	swait.ge [sflag:s23], $0x1  }
0xa3: {  	[sflag:s23] =	ssyncset.done $0x0  }
0xa4: {  	s25 =	simm.s32 $0x1B8E;
	s24 =	sld [smem:$0x3FFE];
	[sflag:s23] =	ssyncadd.s32 $0xFFFFFFFF  }
0xa5: {  	s26 =	simm.s32 $execute0_lowered;
	[smem:$0x3FD2] =	sst s25  }
0xa6: {  	s4 =	sshll.u32 s26, $0x1;
	_ =	strace $0x80000046;
	[dreg:$0x1] =	wrdreg $0xFFFFFFFF  }
0xa7: {  	s28 =	simm.s32 $_size_execute0_lowered;
	s2 =	sadd.s32 s2, s4;
	[dreg:$0x0] =	wrdreg $0x0  }
0xa8: {  	s4 =	sshll.u32 s28, $0x1;
	[dreg:$0x2] =	wrdreg s2  }
0xa9: {  	[dreg:$0x3] =	wrdreg s4  }
0xaa: {  	[dreg:$0x4] =	wrdreg $0xC0  }
0xab: {  	_ =	task [dreg:s6], $0x5FFFF  }
0xac: {  	[dreg:$0x1] =	wrdreg $0xFFFFFFFF  }
0xad: {  	[dreg:$0x0] =	wrdreg $0x60  }
0xae: {  	[dreg:$0x2] =	wrdreg s24  }
0xaf: {  	[dreg:$0x3] =	wrdreg $0x9  }
0xb0: {  	_ =	task.clear_ibuf [dreg:s6], $0x4FFFF;
	_ =	strace $0x90000046  }
0xb1: {  	s29 =	simm.s32 $0x9;
	_ =	strace $0x80000048  }
0xb2: {  	_ =	swait.ge [sflag:s29], $0x1  }
0xb3: {  	[sflag:s29] =	ssyncadd.s32 $0xFFFFFFFF  }
0xb4: {  	_ =	strace $0x90000048  }
0xb5: {  	_ =	sfence  }
0xb6: {  	s30 =	sld [smem:$0x0];
	_ =	sdelay $0x2  }
0xb7: {  	s31 =	sshll.u32 s1, $0xD;
	s1 =	sshrl.u32 s1, $0x2  }
0xb8: {  	s3 =	sand.u32 $0x4000, s31;
	s1 =	sadd.s32 s1, s30  }
0xb9: {  	s0 =	sor.u32 s3, s0;
	s1 =	sshll.u32 s1, $0x11  }
0xba: {  	s0 =	sor.u32 s1, s0  }
0xbb: {  	s0 =	sadd.s32 $0x8F2B, s0  }
0xbc: {  	[sflag:s0] =	ssyncadd.remote.s32 $0x1  }
0xbd: {  	_ =	sfence.sel $0xFFFF  }
0xbe: {  	[dreg:$0x0] =	wrdreg $0xFFFFFFFF;
	(pc) =	sbr.abs _section_cstart, $3  }
0xbf: {  	[dreg:$0x1] =	wrdreg $0xFFFFFFFF  }
0xc0: {  	_ =	task.clear_ibuf [dreg:s6], $0x2FFFF;
	_ =	strace $0x9FFFFFFF  }
0xc1: {  	(tm) =	ssettm $0x7FFFFFFF  }
tec
execute0_lowered:
.L_overlay_start_1:
0x0: {  	(tag) =	ssettag $0x1  }
0x1: {  	s0 =	srdreg.scid  }
0x2: {  	s1 =	stileid.u32;
	s4 =	rddreg [dreg:$0x0];
	s0 =	sand.u32 $0x1, s0  }
0x3: {  	s9 =	simm.s32 $0x0;
	p0 =	sne.s32 s1, $0x0;
	s2 =	sor.u32 s1, s0  }
0x4: {  	[smem:$0x7FF] =	sst s9;
	s25 =	sadd.s32 $0x100800, s4;
	p1 =	seq.s32 s2, $0x0  }
0x5: {  	s26 =	sadd.s32 $0x110800, s4;
	_ =	strace $0x80000047;
	p1 =	por !p0, !p1  }
0x6: {  	[dreg:$0x3] =	wrdreg s25;
	s2 =	simm.s32 $0x1;
	p1 =	por !p1, !p1  }
0x7: {  	[dreg:$0x4] =	wrdreg s26;
	s1 =	sshll.u32 s1, $0xE;
	s2 =	simm.s32 @!p1 $0x0  }
0x8: {  	[dreg:$0x5] =	wrdreg s1;
	s5 =	ssub.s32 s0, s2;
	s0 =	ssub.s32 $0x2, s0  }
0x9: {  	s2 =	sshll.u32 s5, $0x13;
	s28 =	sshll.u32 s5, $0x12;
	s8 =	sshll.u32 s5, $0x7  }
0xa: {  	s7 =	sshrl.u32 s0, $0x1;
	s29 =	sand.u32 $0xFFF80000, s28;
	s30 =	sand.u32 $0x80, s8  }
0xb: {  	s3 =	sand.u32 $0x1FF80000, s2;
	s0 =	ssub.s32 s0, s7;
	s1 =	sor.u32 s30, s29  }
0xc: {  	s6 =	sadd.s32 s3, s4;
	s0 =	smax.u32 s0, $0x1;
	[dreg:$0x7] =	wrdreg s1  }
0xd: {  	s31 =	sadd.s32 $0x800, s6;
	[dreg:$0x8] =	wrdreg s0  }
0xe: {  	v0 =	vimm.s32 $0x0;
	s2 =	simm.s32 $0x1;
	[dreg:$0x6] =	wrdreg s31  }
.LBB2_1:
0xf: {  	[dreg:$0x2] =	wrdreg s9;
	s15 =	simm.s32 $0x0  }
.LBB2_2:
0x10: {  	s1 =	rddreg [dreg:$0x5]  }
0x11: {  	s0 =	sshll.u32 s15, $0xB;
	s30 =	rddreg [dreg:$0x6]  }
0x12: {  	s17 =	simm.s32 $0x0;
	s31 =	simm.s32 $0x4000;
	s1 =	sadd.s32 s1, s0  }
0x13: {  	s3 =	simm.s32 $0x200000;
	[dreg:$0x9] =	wrdreg s1;
	s0 =	sadd.s32 s1, s30  }
0x14: {  	[tilespmem:s17], [sflag:$0x1] =	stream.strided.gather [hbm4b:s0+s31], $0x8000, s3, s31, $0x38;
	[tilespmem:$0x9000] =	vst v63  }
0x15: {  	_ =	swait.ge [sflag:s2], $0x8000  }
0x16: {  	s18 =	sand.u32 $0x60, s17;
	s8 =	sand.u32 $0x3C00, s17;
	[sflag:s2] =	ssyncset.done $0x0  }
0x17: {  	s1 =	sor.u32 s18, s8;
	[sflag:s2] =	ssyncadd.s32 $0xFFFF8000  }
0x18: {  	v1 =	vld [tilespmem:s1+$0x0]  }
0x19: {  	v2 =	vld [tilespmem:s1+$0x80];
	_ =	sdelay $0x1  }
0x1a: {  	v3 =	vld [tilespmem:s1+$0x100];
	_ =	sdelay $0x1  }
0x1b: {  	v4 =	vld [tilespmem:s1+$0x180]  }
0x1c: {  	vm2 =	vgt.f32 v2, v1  }
0x1d: {  	v1 =	vsel vm2, v2, v1;
	v2 =	vld [tilespmem:s1+$0x200]  }
0x1e: {  	vm4 =	vgt.f32 v3, v1  }
0x1f: {  	v1 =	vsel vm4, v3, v1;
	v3 =	vld [tilespmem:s1+$0x280]  }
0x20: {  	vm0 =	vgt.f32 v4, v1  }
0x21: {  	v1 =	vsel vm0, v4, v1;
	v4 =	vld [tilespmem:s1+$0x300]  }
0x22: {  	vm1 =	vgt.f32 v2, v1  }
0x23: {  	s19 =	sor.u32 $0x4000, s8;
	v1 =	vsel vm1, v2, v1;
	v2 =	vld [tilespmem:s1+$0x380]  }
0x24: {  	s3 =	sor.u32 s18, s19;
	vm3 =	vgt.f32 v3, v1  }
0x25: {  	s20 =	sor.u32 $0x4080, s8;
	v1 =	vsel vm3, v3, v1;
	v3 =	vld [tilespmem:s3+$0x0]  }
0x26: {  	s4 =	sor.u32 s18, s20;
	vm5 =	vgt.f32 v4, v1  }
0x27: {  	s21 =	sor.u32 $0x4100, s8;
	v1 =	vsel vm5, v4, v1;
	v4 =	vld [tilespmem:s4+$0x0]  }
0x28: {  	s5 =	sor.u32 s18, s21;
	vm6 =	vgt.f32 v2, v1  }
0x29: {  	s23 =	sor.u32 $0x4180, s8;
	v1 =	vsel vm6, v2, v1;
	v2 =	vld [tilespmem:s5+$0x0]  }
0x2a: {  	s6 =	sor.u32 s18, s23;
	vm7 =	vgt.f32 v3, v1  }
0x2b: {  	s22 =	sor.u32 $0x4200, s8;
	v1 =	vsel vm7, v3, v1;
	v3 =	vld [tilespmem:s6+$0x0]  }
0x2c: {  	s7 =	sor.u32 s18, s22;
	v5 =	vsel vm2, $0x1, v0;
	vm12 =	vgt.f32 v4, v1  }
0x2d: {  	s24 =	sor.u32 $0x4280, s8;
	v5 =	vsel vm4, $0x2, v5;
	v1 =	vsel vm12, v4, v1;
	v4 =	vld [tilespmem:s7+$0x0]  }
0x2e: {  	s9 =	sor.u32 s18, s24;
	v5 =	vsel vm0, $0x3, v5;
	vm13 =	vgt.f32 v2, v1  }
0x2f: {  	s25 =	sor.u32 $0x4300, s8;
	v5 =	vsel vm1, $0x4, v5;
	v1 =	vsel vm13, v2, v1;
	v2 =	vld [tilespmem:s9+$0x0]  }
0x30: {  	s10 =	sor.u32 s18, s25;
	v5 =	vsel vm3, $0x5, v5;
	vm14 =	vgt.f32 v3, v1  }
0x31: {  	s11 =	sor.u32 $0x4380, s8;
	v5 =	vsel vm5, $0x6, v5;
	v1 =	vsel vm14, v3, v1;
	v3 =	vld [tilespmem:s10+$0x0]  }
0x32: {  	s12 =	sor.u32 s18, s11;
	v5 =	vsel vm6, $0x7, v5;
	vm15 =	vgt.f32 v4, v1  }
0x33: {  	v5 =	vsel vm7, $0x8, v5;
	v1 =	vsel vm15, v4, v1;
	v4 =	vld [tilespmem:s12+$0x0]  }
0x34: {  	v5 =	vsel vm12, $0x9, v5;
	vm6 =	vgt.f32 v2, v1  }
0x35: {  	v5 =	vsel vm13, $0xA, v5;
	v1 =	vsel vm6, v2, v1  }
0x36: {  	v2 =	vsel vm14, $0xB, v5;
	vm7 =	vgt.f32 v3, v1  }
0x37: {  	v2 =	vsel vm15, $0xC, v2;
	v1 =	vsel vm7, v3, v1  }
0x38: {  	v2 =	vsel vm6, $0xD, v2;
	vm8 =	vgt.f32 v4, v1  }
0x39: {  	s13 =	simm.s32 $0x8000;
	v2 =	vsel vm7, $0xE, v2;
	v1 =	vsel vm8, v4, v1  }
0x3a: {  	s14 =	simm.s32 $0x8800;
	s18 =	sor.u32 $0x10, s18;
	[tilespmem:s13+$0x0] =	vst v1;
	v1 =	vsel vm8, $0xF, v2  }
0x3b: {  	s16 =	sor.u32 s18, s8;
	[tilespmem:s14+$0x0] =	vst v1  }
0x3c: {  	v1 =	vld [tilespmem:s16+$0x0]  }
0x3d: {  	v2 =	vld [tilespmem:s16+$0x80];
	_ =	sdelay $0x1  }
0x3e: {  	v3 =	vld [tilespmem:s16+$0x100];
	_ =	sdelay $0x1  }
0x3f: {  	v4 =	vld [tilespmem:s16+$0x180]  }
0x40: {  	vm9 =	vgt.f32 v2, v1  }
0x41: {  	v1 =	vsel vm9, v2, v1;
	v2 =	vld [tilespmem:s16+$0x200]  }
0x42: {  	vm10 =	vgt.f32 v3, v1  }
0x43: {  	v1 =	vsel vm10, v3, v1;
	v3 =	vld [tilespmem:s16+$0x280]  }
0x44: {  	vm11 =	vgt.f32 v4, v1  }
0x45: {  	v1 =	vsel vm11, v4, v1;
	v4 =	vld [tilespmem:s16+$0x300]  }
0x46: {  	vm12 =	vgt.f32 v2, v1  }
0x47: {  	v5 =	vld [tilespmem:s16+$0x380];
	v1 =	vsel vm12, v2, v1  }
0x48: {  	s19 =	sor.u32 s18, s19;
	vm13 =	vgt.f32 v3, v1  }
0x49: {  	v2 =	vld [tilespmem:s19+$0x0];
	v1 =	vsel vm13, v3, v1  }
0x4a: {  	s20 =	sor.u32 s18, s20;
	vm14 =	vgt.f32 v4, v1  }
0x4b: {  	v3 =	vld [tilespmem:s20+$0x0];
	v1 =	vsel vm14, v4, v1  }
0x4c: {  	s26 =	sor.u32 s18, s21;
	vm15 =	vgt.f32 v5, v1  }
0x4d: {  	v4 =	vld [tilespmem:s26+$0x0];
	v1 =	vsel vm15, v5, v1  }
0x4e: {  	s28 =	sor.u32 s18, s23;
	v5 =	vsel vm9, $0x1, v0;
	vm9 =	vgt.f32 v2, v1  }
0x4f: {  	v1 =	vsel vm9, v2, v1;
	v2 =	vld [tilespmem:s28+$0x0]  }
0x50: {  	s29 =	sor.u32 s18, s22;
	v5 =	vsel vm10, $0x2, v5;
	vm10 =	vgt.f32 v3, v1  }
0x51: {  	v1 =	vsel vm10, v3, v1;
	v3 =	vld [tilespmem:s29+$0x0]  }
0x52: {  	s30 =	sor.u32 s18, s24;
	v5 =	vsel vm11, $0x3, v5;
	vm11 =	vgt.f32 v4, v1  }
0x53: {  	v5 =	vsel vm12, $0x4, v5;
	v1 =	vsel vm11, v4, v1;
	v4 =	vld [tilespmem:s30+$0x0]  }
0x54: {  	v5 =	vsel vm13, $0x5, v5;
	vm12 =	vgt.f32 v2, v1  }
0x55: {  	v5 =	vsel vm14, $0x6, v5;
	v1 =	vsel vm12, v2, v1  }
0x56: {  	s31 =	sor.u32 s18, s25;
	v5 =	vsel vm15, $0x7, v5;
	vm13 =	vgt.f32 v3, v1  }
0x57: {  	v5 =	vsel vm9, $0x8, v5;
	v2 =	vld [tilespmem:s31+$0x0];
	v1 =	vsel vm13, v3, v1  }
0x58: {  	s0 =	sor.u32 s18, s11;
	v5 =	vsel vm10, $0x9, v5;
	vm14 =	vgt.f32 v4, v1  }
0x59: {  	v5 =	vsel vm11, $0xA, v5;
	v4 =	vsel vm14, v4, v1;
	v1 =	vld [tilespmem:s0+$0x0]  }
0x5a: {  	v3 =	vsel vm12, $0xB, v5  }
0x5b: {  	v3 =	vsel vm13, $0xC, v3  }
0x5c: {  	s21 =	simm.s32 $0x20;
	s22 =	simm.s32 $0x8020;
	v5 =	vsel vm14, $0xD, v3;
	vm15 =	vgt.f32 v2, v4  }
0x5d: {  	s23 =	simm.s32 $0x8820;
	s19 =	sand.u32 $0x780, s17;
	s20 =	simm.s32 $0x0;
	v3 =	vsel vm15, v2, v4;
	v2 =	vsel vm15, $0xE, v5  }
.LBB2_3:
0x5e: {  	s0 =	sand.u32 $0x780, s21;
	s20 =	sadd.s32 $0x2, s20;
	vm0 =	vgt.f32 v1, v3;
	s17 =	sadd.s32 $0x100, s17  }
0x5f: {  	s1 =	sor.u32 s19, s18;
	p1 =	slt.u32 s20, $0x7E;
	v1 =	vsel vm0, v1, v3;
	v2 =	vsel vm0, $0xF, v2;
	s19 =	smov.u32 s0  }
0x60: {  	s0 =	sand.u32 $0x60, s21;
	s8 =	sand.u32 $0x3C00, s17;
	[tilespmem:s1+$0x8000] =	vst v1  }
0x61: {  	s14 =	sor.u32 s0, s8;
	s24 =	sor.u32 $0x4000, s8;
	s25 =	sor.u32 $0x4080, s8;
	[tilespmem:s1+$0x8800] =	vst v2  }
0x62: {  	s26 =	sor.u32 $0x4100, s8;
	s3 =	sor.u32 s0, s24;
	s4 =	sor.u32 s0, s25;
	v1 =	vld [tilespmem:s14+$0x0]  }
0x63: {  	s28 =	sor.u32 $0x4180, s8;
	s6 =	sor.u32 $0x4200, s8;
	s5 =	sor.u32 s0, s26;
	v2 =	vld [tilespmem:s14+$0x80]  }
0x64: {  	s11 =	sor.u32 $0x4280, s8;
	s7 =	sor.u32 s0, s28;
	s13 =	sor.u32 s0, s6  }
0x65: {  	s12 =	sor.u32 $0x4300, s8;
	s16 =	sor.u32 $0x4380, s8;
	s10 =	sor.u32 s0, s11;
	v3 =	vld [tilespmem:s14+$0x100]  }
0x66: {  	s18 =	sor.u32 $0x10, s0;
	s9 =	sor.u32 s0, s12;
	s1 =	sor.u32 s0, s16  }
0x67: {  	s0 =	sor.u32 s18, s24;
	s31 =	sor.u32 s18, s25;
	s30 =	sor.u32 s18, s26;
	v4 =	vld [tilespmem:s14+$0x180]  }
0x68: {  	s29 =	sor.u32 s18, s28;
	s28 =	sor.u32 s18, s6;
	s26 =	sor.u32 s18, s11;
	vm0 =	vgt.f32 v2, v1  }
0x69: {  	s25 =	sor.u32 s18, s12;
	s24 =	sor.u32 s18, s16;
	v1 =	vsel vm0, v2, v1;
	v2 =	vld [tilespmem:s14+$0x200]  }
0x6a: {  	vm1 =	vgt.f32 v3, v1  }
0x6b: {  	v1 =	vsel vm1, v3, v1;
	v3 =	vld [tilespmem:s14+$0x280]  }
0x6c: {  	vm2 =	vgt.f32 v4, v1  }
0x6d: {  	v1 =	vsel vm2, v4, v1;
	v4 =	vld [tilespmem:s14+$0x300]  }
0x6e: {  	vm3 =	vgt.f32 v2, v1  }
0x6f: {  	v1 =	vsel vm3, v2, v1;
	v2 =	vld [tilespmem:s14+$0x380]  }
0x70: {  	vm4 =	vgt.f32 v3, v1  }
0x71: {  	v1 =	vsel vm4, v3, v1;
	v3 =	vld [tilespmem:s3+$0x0]  }
0x72: {  	vm5 =	vgt.f32 v4, v1  }
0x73: {  	v1 =	vsel vm5, v4, v1;
	v4 =	vld [tilespmem:s4+$0x0]  }
0x74: {  	vm6 =	vgt.f32 v2, v1  }
0x75: {  	v1 =	vsel vm6, v2, v1;
	v2 =	vld [tilespmem:s5+$0x0]  }
0x76: {  	vm7 =	vgt.f32 v3, v1  }
0x77: {  	v5 =	vsel vm0, $0x1, v0;
	v1 =	vsel vm7, v3, v1;
	v3 =	vld [tilespmem:s7+$0x0]  }
0x78: {  	v5 =	vsel vm1, $0x2, v5;
	vm0 =	vgt.f32 v4, v1  }
0x79: {  	v5 =	vsel vm2, $0x3, v5;
	v1 =	vsel vm0, v4, v1;
	v4 =	vld [tilespmem:s13+$0x0]  }
0x7a: {  	v5 =	vsel vm3, $0x4, v5;
	vm1 =	vgt.f32 v2, v1  }
0x7b: {  	v5 =	vsel vm4, $0x5, v5;
	v1 =	vsel vm1, v2, v1;
	v2 =	vld [tilespmem:s10+$0x0]  }
0x7c: {  	v5 =	vsel vm5, $0x6, v5;
	vm2 =	vgt.f32 v3, v1  }
0x7d: {  	v5 =	vsel vm6, $0x7, v5;
	v1 =	vsel vm2, v3, v1;
	v3 =	vld [tilespmem:s9+$0x0]  }
0x7e: {  	v5 =	vsel vm7, $0x8, v5;
	vm3 =	vgt.f32 v4, v1  }
0x7f: {  	v5 =	vsel vm0, $0x9, v5;
	v1 =	vsel vm3, v4, v1;
	v4 =	vld [tilespmem:s1+$0x0]  }
0x80: {  	v5 =	vsel vm1, $0xA, v5;
	vm0 =	vgt.f32 v2, v1  }
0x81: {  	v5 =	vsel vm2, $0xB, v5;
	v1 =	vsel vm0, v2, v1  }
0x82: {  	v2 =	vsel vm3, $0xC, v5;
	vm1 =	vgt.f32 v3, v1  }
0x83: {  	v2 =	vsel vm0, $0xD, v2;
	v1 =	vsel vm1, v3, v1  }
0x84: {  	v2 =	vsel vm1, $0xE, v2;
	vm0 =	vgt.f32 v4, v1  }
0x85: {  	v1 =	vsel vm0, v4, v1;
	v2 =	vsel vm0, $0xF, v2  }
0x86: {  	[tilespmem:s22+$0x0] =	vst v1  }
0x87: {  	s1 =	sor.u32 s18, s8;
	[tilespmem:s23+$0x0] =	vst v2  }
0x88: {  	v1 =	vld [tilespmem:s1+$0x0]  }
0x89: {  	v2 =	vld [tilespmem:s1+$0x80];
	_ =	sdelay $0x1  }
0x8a: {  	v3 =	vld [tilespmem:s1+$0x100];
	_ =	sdelay $0x1  }
0x8b: {  	v4 =	vld [tilespmem:s1+$0x180]  }
0x8c: {  	vm0 =	vgt.f32 v2, v1  }
0x8d: {  	v1 =	vsel vm0, v2, v1;
	v2 =	vld [tilespmem:s1+$0x200]  }
0x8e: {  	vm1 =	vgt.f32 v3, v1  }
0x8f: {  	v1 =	vsel vm1, v3, v1;
	v3 =	vld [tilespmem:s1+$0x280]  }
0x90: {  	vm2 =	vgt.f32 v4, v1  }
0x91: {  	v1 =	vsel vm2, v4, v1;
	v4 =	vld [tilespmem:s1+$0x300]  }
0x92: {  	vm3 =	vgt.f32 v2, v1  }
0x93: {  	v1 =	vsel vm3, v2, v1;
	v2 =	vld [tilespmem:s1+$0x380]  }
0x94: {  	vm4 =	vgt.f32 v3, v1  }
0x95: {  	v1 =	vsel vm4, v3, v1;
	v3 =	vld [tilespmem:s0+$0x0]  }
0x96: {  	vm5 =	vgt.f32 v4, v1  }
0x97: {  	v1 =	vsel vm5, v4, v1;
	v4 =	vld [tilespmem:s31+$0x0]  }
0x98: {  	vm6 =	vgt.f32 v2, v1  }
0x99: {  	v5 =	vsel vm0, $0x1, v0;
	v1 =	vsel vm6, v2, v1;
	v2 =	vld [tilespmem:s30+$0x0]  }
0x9a: {  	v5 =	vsel vm1, $0x2, v5;
	vm0 =	vgt.f32 v3, v1  }
0x9b: {  	v5 =	vsel vm2, $0x3, v5;
	v1 =	vsel vm0, v3, v1;
	v3 =	vld [tilespmem:s29+$0x0]  }
0x9c: {  	v5 =	vsel vm3, $0x4, v5;
	vm1 =	vgt.f32 v4, v1  }
0x9d: {  	v5 =	vsel vm4, $0x5, v5;
	v1 =	vsel vm1, v4, v1;
	v4 =	vld [tilespmem:s28+$0x0]  }
0x9e: {  	v5 =	vsel vm5, $0x6, v5;
	vm2 =	vgt.f32 v2, v1  }
0x9f: {  	v5 =	vsel vm6, $0x7, v5;
	v1 =	vsel vm2, v2, v1;
	v2 =	vld [tilespmem:s26+$0x0]  }
0xa0: {  	v5 =	vsel vm0, $0x8, v5;
	vm0 =	vgt.f32 v3, v1  }
0xa1: {  	v5 =	vsel vm1, $0x9, v5;
	v1 =	vsel vm0, v3, v1;
	v3 =	vld [tilespmem:s25+$0x0]  }
0xa2: {  	v5 =	vsel vm2, $0xA, v5;
	vm1 =	vgt.f32 v4, v1  }
.Ltmp0:
0xa3: {  	v5 =	vsel vm0, $0xB, v5;
	v4 =	vsel vm1, v4, v1;
	v1 =	vld [tilespmem:s24+$0x0];
	(pc) =	sbr.rel @p1 .LBB2_3-.Ltmp0, $4  }
0xa4: {  	v5 =	vsel vm1, $0xC, v5;
	vm0 =	vgt.f32 v2, v4  }
0xa5: {  	v2 =	vsel vm0, v2, v4;
	v4 =	vsel vm0, $0xD, v5  }
0xa6: {  	vm0 =	vgt.f32 v3, v2  }
0xa7: {  	s21 =	sadd.s32 $0x20, s21;
	s22 =	sadd.s32 $0x20, s22;
	s23 =	sadd.s32 $0x20, s23;
	v3 =	vsel vm0, v3, v2;
	v2 =	vsel vm0, $0xE, v4  }
0xa8: {  	s0 =	rddreg [dreg:$0x9]  }
0xa9: {  	vm0 =	vgt.f32 v1, v3;
	s3 =	rddreg [dreg:$0x7];
	s0 =	sshll.u32 s0, $0x1  }
0xaa: {  	s1 =	sor.u32 s19, s18;
	v1 =	vsel vm0, v1, v3;
	s0 =	sadd.s32 s3, s0  }
0xab: {  	s28 =	rddreg [dreg:$0x3];
	s29 =	simm.s32 $0x80;
	v2 =	vsel vm0, $0xF, v2;
	[tilespmem:s1+$0x8000] =	vst v1;
	s0 =	sshrl.u32 s0, $0x3  }
0xac: {  	s4 =	simm.s32 $0x100;
	s5 =	simm.s32 $0x8000;
	[tilespmem:s1+$0x8800] =	vst v2;
	s1 =	sadd.s32 s28, s0  }
0xad: {  	[hbm4b:s1+s29] =	stream.strided.scatter [tilespmem:s5], [sflag:$0x1], $0x800, s4, s29, $0x38;
	[tilespmem:$0x9000] =	vst v63  }
0xae: {  	s31 =	simm.s32 $0x8800;
	s15 =	sadd.s32 $0x1, s15;
	_ =	swait.ge [sflag:s2], $0x800  }
0xaf: {  	p1 =	sne.s32 s15, $0x8;
	[sflag:s2] =	ssyncset.done $0x0;
	s30 =	rddreg [dreg:$0x4]  }
.Ltmp1:
0xb0: {  	[sflag:s2] =	ssyncadd.s32 $0xFFFFF800;
	s0 =	sadd.s32 s30, s0;
	(pc) =	sbr.rel @p1 .LBB2_2-.Ltmp1, $4  }
0xb1: {  	[hbm4b:s0+s29] =	stream.strided.scatter [tilespmem:s31], [sflag:$0x1], $0x800, s4, s29, $0x38;
	[tilespmem:$0x9000] =	vst v63  }
0xb2: {  	_ =	swait.ge [sflag:s2], $0x800  }
0xb3: {  	[sflag:s2] =	ssyncset.done $0x0  }
0xb4: {  	[sflag:s2] =	ssyncadd.s32 $0xFFFFF800  }
0xb5: {  	s9 =	rddreg [dreg:$0x2]  }
0xb6: {  	s0 =	rddreg [dreg:$0x8];
	s9 =	sadd.s32 $0x1, s9  }
0xb7: {  	p1 =	sne.s32 s9, s0  }
.Ltmp2:
0xb8: {  	_ = 	snop;
	(pc) =	sbr.rel @p1 .LBB2_1-.Ltmp2, $1  }
0xb9: {  	_ =	sdelay $0x3  }
0xba: {  	_ =	sfence.sel $0x180000  }
0xbb: {  	[bflag:$0x0] =	sbarrier.arrive $0xFFFF  }
0xbc: {  	_ =	strace $0x90000047  }
0xbd: {  	[bflag:$0x2] =	sbarrier.arrive $0xFFFF  }
0xbe: {  	s0 =	rddreg [dreg:$0x1]  }
0xbf: {  	s0 =	sadd.s32 @!p0 $0x100000, s0  }
0xc0: {  	[sflag:s0] =	ssyncadd.tile.s32 @!p0 $0x1;
	_ =	shalt  }
.Lfunc_end2:
_tile_overlayer_lowered:
.L_overlay_start_2:
0xc1: {  	(tag) =	ssettag $0x2  }
0xc2: {  	s0 =	rddreg [dreg:$0x0];
	s2 =	stileid.u32  }
0xc3: {  	s1 =	rddreg [dreg:$0x1];
	p0 =	sne.s32 s2, $0x0  }
0xc4: {  	s3 =	rddreg [dreg:$0x2];
	[bflag:$0x3] =	sbarrier.arrive $0xFFFF;
	s2 =	simm.s32 @!p0 $0x1C01  }
0xc5: {  	[timem:s3], [sflag:s2] =	dma.local @!p0 [hbm:s0], s1  }
0xc6: {  	s0 =	simm.s32 @!p0 $0x1  }
0xc7: {  	_ =	swait.ge @!p0 [sflag:s0], s1  }
0xc8: {  	s1 =	ssub.s32 @!p0 $0x0, s1;
	[sflag:s0] =	ssyncset.done @!p0 $0x0  }
0xc9: {  	[sflag:s0] =	ssyncadd.s32 @!p0 s1  }
0xca: {  	[bflag:$0x3] =	sbarrier.arrive $0xFFFF  }
0xcb: {  	_ =	shalt  }

</sc_bundles>
